<compile_context>
chip_gen: v7x
topology: tpu7x:2x2x1
jax: 0.10.2.dev20260603
libtpu: 0.0.44.dev20260713+nightly
codegen_flags: <defaults>
</compile_context>

<pallas_src>
import functools

import jax
import jax.numpy as jnp
from jax import lax
from jax.experimental import pallas as pl
from jax.experimental.pallas import tpu as pltpu
from jax.experimental.pallas import tpu_sc as plsc

_D = 32
_K = 8192
_N = 4608
_NW = 32
_BPW = _N // _NW


_BR = 1152
_NB = _N // _BR


def _vq_tc_body(z_ref, cb_ref, idx_ref, loss_ref, zpad_ref, cbpad_ref,
                csum_ref):
    i = pl.program_id(0)
    cb = cb_ref[...]
    zb = z_ref[...].reshape(_BR, _D)

    zpad_ref[...] = jnp.pad(zb, ((0, 0), (0, 128 - _D)))

    @pl.when(i == 0)
    def _init():
        cbpad_ref[...] = jnp.pad(cb, ((0, 0), (0, 128 - _D)))
        ones8 = jnp.ones((8, _D), jnp.float32)
        csum_ref[...] = lax.dot_general(
            ones8, cb * cb, (((1,), (1,)), ((), ())),
            preferred_element_type=jnp.float32)
        loss_ref[0, 0] = 0.0

    zsum = jnp.sum(zb * zb, axis=1, keepdims=True)
    zb16 = zb.astype(jnp.bfloat16)
    cb16 = cb.astype(jnp.bfloat16)
    csum = csum_ref[0:1, :]
    lane = lax.broadcasted_iota(jnp.int32, (_BR, 128), 1)

    _W = _K // 4
    rv = ri = None
    for k in range(4):
        mm = lax.dot_general(zb16, cb16[k * _W:(k + 1) * _W, :],
                             (((1,), (1,)), ((), ())),
                             preferred_element_type=jnp.float32)
        for c2 in range(_W // 128):
            c = k * (_W // 128) + c2
            sl = slice(c * 128, (c + 1) * 128)
            sl2 = slice(c2 * 128, (c2 + 1) * 128)
            d = (zsum + csum[:, sl]) - 2.0 * mm[:, sl2]
            j = lane + (c * 128)
            if rv is None:
                rv, ri = d, j
            else:
                upd = d < rv
                rv = jnp.where(upd, d, rv)
                ri = jnp.where(upd, j, ri)

    dminb = jnp.min(rv, axis=1, keepdims=True)
    cand = jnp.where(rv == dminb, ri, _K)
    idxc = jnp.min(cand, axis=1, keepdims=True)
    idx_ref[pl.ds(i * _BR, _BR)] = idxc[:, 0]
    loss_ref[0, 0] += jnp.sum(dminb)


def _tc_argmin(z, codebook):
    return pl.pallas_call(
        _vq_tc_body,
        grid=(_NB,),
        in_specs=[
            pl.BlockSpec((_BR // 576, 576, _D), lambda i: (i, 0, 0)),
            pl.BlockSpec((_K, _D), lambda i: (0, 0)),
        ],
        out_specs=[
            pl.BlockSpec((_N,), lambda i: (0,)),
            pl.BlockSpec(memory_space=pltpu.SMEM),
            pl.BlockSpec((_BR, 128), lambda i: (i, 0)),
            pl.BlockSpec((_K, 128), lambda i: (0, 0)),
        ],
        out_shape=[
            jax.ShapeDtypeStruct((_N,), jnp.int32),
            jax.ShapeDtypeStruct((1, 1), jnp.float32),
            jax.ShapeDtypeStruct((_N, 128), jnp.float32),
            jax.ShapeDtypeStruct((_K, 128), jnp.float32),
        ],
        scratch_shapes=[pltpu.VMEM((8, _K), jnp.float32)],
    )(z, codebook)


@functools.cache
def _make_sc_gather_zq():
    mesh = plsc.VectorSubcoreMesh(core_axis_name="c", subcore_axis_name="s")

    @functools.partial(
        pl.kernel,
        mesh=mesh,
        out_type=jax.ShapeDtypeStruct((_N, 128), jnp.float32),
        scratch_types=[
            pltpu.VMEM((_BPW,), jnp.int32),
            pltpu.VMEM((_BPW, 128), jnp.float32),
            pltpu.VMEM((_BPW, 128), jnp.float32),
            pltpu.SemaphoreType.DMA,
        ],
    )
    def _sc_gather_zq(cb_hbm, idx_hbm, z_hbm, out_hbm, idx_v, rows_v, z_v, sem):
        wid = lax.axis_index("s") * 2 + lax.axis_index("c")
        base = wid * _BPW
        pltpu.sync_copy(idx_hbm.at[pl.ds(base, _BPW)], idx_v)
        pltpu.async_copy(cb_hbm.at[idx_v], rows_v, sem).wait()
        pltpu.sync_copy(z_hbm.at[pl.ds(base, _BPW), :], z_v)

        def body(r, carry):
            for h in range(_D // 16):
                sl = pl.ds(h * 16, 16)
                q16 = rows_v[r, sl]
                z16 = z_v[r, sl]
                z_v[r, sl] = z16 + (q16 - z16)
            return carry

        lax.fori_loop(0, _BPW, body, 0)
        pltpu.sync_copy(z_v, out_hbm.at[pl.ds(base, _BPW), :])

    return _sc_gather_zq


def kernel(z, codebook):
    idx, loss_sum, zpad, cbpad = _tc_argmin(z, codebook)
    zq_pad = _make_sc_gather_zq()(cbpad, idx, zpad)
    m = loss_sum[0, 0] / jnp.float32(_N * _D)
    vq_loss = m + jnp.float32(0.25) * m
    return zq_pad[:, :_D].reshape(z.shape), vq_loss, idx

# --- scband reference (transcript-rebuilt; emitter-appended) ---
"""Pipeline reference for scband-vqlayer-72095321031031 (READ-ONLY COPY).

The authoritative reference and input builder live on the scoring server;
editing this copy changes nothing except your own understanding.
"""

import jax, jax.numpy as jnp
import numpy as np

NUM_EMBEDDINGS = 8192
EMBEDDING_DIM = 32
COMMITMENT_COST = 0.25


def setup_inputs(seed: int = 0) -> dict:
    key = jax.random.key(seed)
    k1, k2 = jax.random.split(key)
    z = jax.random.normal(k1, (8, 576, EMBEDDING_DIM), dtype=jnp.float32)
    # codebook initialized uniform(-1/K, 1/K) as in the torch module
    codebook = jax.random.uniform(
        k2, (NUM_EMBEDDINGS, EMBEDDING_DIM), dtype=jnp.float32,
        minval=-1.0 / NUM_EMBEDDINGS, maxval=1.0 / NUM_EMBEDDINGS)
    return {"z": z, "codebook": codebook}


def reference(z, codebook):
    # Faithful eval-mode forward of VQLayer (no EMA/usage buffer updates).
    flat_z = z.reshape(-1, EMBEDDING_DIM)
    distances = (jnp.sum(flat_z ** 2, axis=1, keepdims=True)
                 + jnp.sum(codebook ** 2, axis=1)
                 - 2.0 * jnp.matmul(flat_z, codebook.T))
    encoding_indices = jnp.argmin(distances, axis=1)
    quantized = jnp.take(codebook, encoding_indices, axis=0).reshape(z.shape)
    # straight-through estimator
    z_q = z + jax.lax.stop_gradient(quantized - z)
    q_loss = jnp.mean((jax.lax.stop_gradient(quantized) - z) ** 2)
    e_loss = jnp.mean((quantized - jax.lax.stop_gradient(z)) ** 2)
    vq_loss = q_loss + COMMITMENT_COST * e_loss
    return (z_q, vq_loss, encoding_indices)

if __name__ == "__main__":
    import jax
    _d = setup_inputs()
    print(jax.jit(kernel)(*tuple(_d.values())))

</pallas_src>

<mosaic_0001>
#map = affine_map<(d0, d1) -> (0, 0)>
#map1 = affine_map<(d0, d1) -> (0)>
module attributes {stable_mosaic.version = 14 : i64} {
  func.func @_sc_gather_zq(%arg0: i32, %arg1: i32, %arg2: memref<8192x128xf32, #tpu.memory_space<hbm>>, %arg3: memref<4608xi32, #tpu.memory_space<hbm>>, %arg4: memref<4608x128xf32, #tpu.memory_space<hbm>>, %arg5: memref<4608x128xf32, #tpu.memory_space<hbm>>, %arg6: memref<144xi32, #tpu.memory_space<vmem>>, %arg7: memref<144x128xf32, #tpu.memory_space<vmem>>, %arg8: memref<144x128xf32, #tpu.memory_space<vmem>>, %arg9: memref<!tpu.dma_semaphore, #tpu.memory_space<semaphore_mem>>) attributes {dimension_semantics = [#tpu.dimension_semantics<core_parallel>, #tpu.dimension_semantics<subcore_parallel>], iteration_bounds = array<i64: 2, 16>, scalar_prefetch = 0 : i64, scratch_operands = 4 : i64, tpu.core_type = #tpu.core_type<sc_vector_subcore>, window_params = [{transform_indices = #map}, {transform_indices = #map1}, {transform_indices = #map}, {transform_indices = #map}]} {
    %mul3A = arith.constant 2 : i32
    %mul3A_0 = arith.muli %arg1, %mul3A : i32
    %add3A = arith.addi %mul3A_0, %arg0 : i32
    %mul3A_1 = arith.constant 144 : i32
    %mul3A_2 = arith.muli %add3A, %mul3A_1 : i32
    "tpu.region"() ({
      %run_scoped3A = tpu.sem_alloc : memref<!tpu.dma_semaphore, #tpu.memory_space<semaphore_mem>>
      %dma_start3A_12 = tpu.memref_slice %arg3[%mul3A_2] : memref<4608xi32, #tpu.memory_space<hbm>> -> memref<144xi32, #tpu.memory_space<hbm>>
      %dma_start3A_13 = tpu.memref_slice %arg3[%mul3A_2] : memref<4608xi32, #tpu.memory_space<hbm>> -> memref<144xi32, #tpu.memory_space<hbm>>
      tpu.enqueue_dma source(%dma_start3A_13 : memref<144xi32, #tpu.memory_space<hbm>>) target(%arg6 : memref<144xi32, #tpu.memory_space<vmem>>) target_semaphore(%run_scoped3A : memref<!tpu.dma_semaphore, #tpu.memory_space<semaphore_mem>>)
      %dma_wait3A_14 = tpu.memref_slice %arg3[%mul3A_2] : memref<4608xi32, #tpu.memory_space<hbm>> -> memref<144xi32, #tpu.memory_space<hbm>>
      %dma_wait3A_15 = tpu.memref_slice %arg3[%mul3A_2] : memref<4608xi32, #tpu.memory_space<hbm>> -> memref<144xi32, #tpu.memory_space<hbm>>
      tpu.wait_dma2 semaphore(%run_scoped3A : memref<!tpu.dma_semaphore, #tpu.memory_space<semaphore_mem>>) src(%dma_wait3A_15 : memref<144xi32, #tpu.memory_space<hbm>>) dst(%arg6 : memref<144xi32, #tpu.memory_space<vmem>>)
      tpu.yield
    }) : () -> ()
    %dma_start3A = arith.constant 0 : i32
    %dma_start3A_3 = arith.constant 0 : i32
    %dma_start3A_4 = tpu.memref_slice %arg2[%dma_start3A, %dma_start3A_3] : memref<8192x128xf32, #tpu.memory_space<hbm>> -> memref<8192x128xf32, #tpu.memory_space<hbm>>
    tpu.enqueue_indirect_dma source(%dma_start3A_4 : memref<8192x128xf32, #tpu.memory_space<hbm>>) target(%arg7 : memref<144x128xf32, #tpu.memory_space<vmem>>) offsets(%arg6 : memref<144xi32, #tpu.memory_space<vmem>>) semaphore(%arg9 : memref<!tpu.dma_semaphore, #tpu.memory_space<semaphore_mem>>)
    %dma_wait3A = arith.constant 0 : i32
    %dma_wait3A_5 = arith.constant 0 : i32
    %dma_wait3A_6 = tpu.memref_slice %arg2[%dma_wait3A, %dma_wait3A_5] : memref<8192x128xf32, #tpu.memory_space<hbm>> -> memref<8192x128xf32, #tpu.memory_space<hbm>>
    tpu.wait_indirect_dma semaphore(%arg9 : memref<!tpu.dma_semaphore, #tpu.memory_space<semaphore_mem>>) src(%dma_wait3A_6 : memref<8192x128xf32, #tpu.memory_space<hbm>>) dst(%arg7 : memref<144x128xf32, #tpu.memory_space<vmem>>)
    "tpu.region"() ({
      %run_scoped3A = tpu.sem_alloc : memref<!tpu.dma_semaphore, #tpu.memory_space<semaphore_mem>>
      %dma_start3A_12 = arith.constant 0 : i32
      %dma_start3A_13 = tpu.memref_slice %arg4[%mul3A_2, %dma_start3A_12] : memref<4608x128xf32, #tpu.memory_space<hbm>> -> memref<144x128xf32, #tpu.memory_space<hbm>>
      %dma_start3A_14 = arith.constant 0 : i32
      %dma_start3A_15 = tpu.memref_slice %arg4[%mul3A_2, %dma_start3A_14] : memref<4608x128xf32, #tpu.memory_space<hbm>> -> memref<144x128xf32, #tpu.memory_space<hbm>>
      tpu.enqueue_dma source(%dma_start3A_15 : memref<144x128xf32, #tpu.memory_space<hbm>>) target(%arg8 : memref<144x128xf32, #tpu.memory_space<vmem>>) target_semaphore(%run_scoped3A : memref<!tpu.dma_semaphore, #tpu.memory_space<semaphore_mem>>)
      %dma_wait3A_16 = arith.constant 0 : i32
      %dma_wait3A_17 = tpu.memref_slice %arg4[%mul3A_2, %dma_wait3A_16] : memref<4608x128xf32, #tpu.memory_space<hbm>> -> memref<144x128xf32, #tpu.memory_space<hbm>>
      %dma_wait3A_18 = arith.constant 0 : i32
      %dma_wait3A_19 = tpu.memref_slice %arg4[%mul3A_2, %dma_wait3A_18] : memref<4608x128xf32, #tpu.memory_space<hbm>> -> memref<144x128xf32, #tpu.memory_space<hbm>>
      tpu.wait_dma2 semaphore(%run_scoped3A : memref<!tpu.dma_semaphore, #tpu.memory_space<semaphore_mem>>) src(%dma_wait3A_19 : memref<144x128xf32, #tpu.memory_space<hbm>>) dst(%arg8 : memref<144x128xf32, #tpu.memory_space<vmem>>)
      tpu.yield
    }) : () -> ()
    %scan3A = arith.constant 0 : i32
    %scan3A_7 = arith.constant 0 : i32
    %scan3A_8 = arith.constant 144 : i32
    %scan3A_9 = arith.addi %scan3A_7, %scan3A_8 : i32
    %scan3A_10 = arith.constant 1 : i32
    scf.for %scan3A_12 = %scan3A_7 to %scan3A_9 step %scan3A_10  : i32 {
      %get3A = arith.index_cast %scan3A_12 : i32 to index
      %get3A_13 = arith.constant 0 : index
      %get3A_14 = tpu.vector_load %arg7[%get3A, %get3A_13] {strides = array<i32>} : memref<144x128xf32, #tpu.memory_space<vmem>>, vector<1x16xf32>,
      %get3A_15 = vector.shape_cast %get3A_14 : vector<1x16xf32> to vector<16xf32>
      %get3A_16 = arith.index_cast %scan3A_12 : i32 to index
      %get3A_17 = arith.constant 0 : index
      %get3A_18 = tpu.vector_load %arg8[%get3A_16, %get3A_17] {strides = array<i32>} : memref<144x128xf32, #tpu.memory_space<vmem>>, vector<1x16xf32>,
      %get3A_19 = vector.shape_cast %get3A_18 : vector<1x16xf32> to vector<16xf32>
      %sub3A = arith.subf %get3A_15, %get3A_19 : vector<16xf32>
      %add3A_20 = arith.addf %get3A_19, %sub3A : vector<16xf32>
      %swap3A = arith.index_cast %scan3A_12 : i32 to index
      %swap3A_21 = arith.constant 0 : index
      %swap3A_22 = tpu.vector_load %arg8[%swap3A, %swap3A_21] {strides = array<i32>} : memref<144x128xf32, #tpu.memory_space<vmem>>, vector<1x16xf32>,
      %swap3A_23 = vector.shape_cast %swap3A_22 : vector<1x16xf32> to vector<16xf32>
      %swap3A_24 = vector.shape_cast %add3A_20 : vector<16xf32> to vector<1x16xf32>
      tpu.vector_store %arg8[%swap3A, %swap3A_21], %swap3A_24 {strides = array<i32>} : memref<144x128xf32, #tpu.memory_space<vmem>>, vector<1x16xf32>,
      %get3A_25 = arith.index_cast %scan3A_12 : i32 to index
      %get3A_26 = arith.constant 16 : index
      %get3A_27 = tpu.vector_load %arg7[%get3A_25, %get3A_26] {strides = array<i32>} : memref<144x128xf32, #tpu.memory_space<vmem>>, vector<1x16xf32>,
      %get3A_28 = vector.shape_cast %get3A_27 : vector<1x16xf32> to vector<16xf32>
      %get3A_29 = arith.index_cast %scan3A_12 : i32 to index
      %get3A_30 = arith.constant 16 : index
      %get3A_31 = tpu.vector_load %arg8[%get3A_29, %get3A_30] {strides = array<i32>} : memref<144x128xf32, #tpu.memory_space<vmem>>, vector<1x16xf32>,
      %get3A_32 = vector.shape_cast %get3A_31 : vector<1x16xf32> to vector<16xf32>
      %sub3A_33 = arith.subf %get3A_28, %get3A_32 : vector<16xf32>
      %add3A_34 = arith.addf %get3A_32, %sub3A_33 : vector<16xf32>
      %swap3A_35 = arith.index_cast %scan3A_12 : i32 to index
      %swap3A_36 = arith.constant 16 : index
      %swap3A_37 = tpu.vector_load %arg8[%swap3A_35, %swap3A_36] {strides = array<i32>} : memref<144x128xf32, #tpu.memory_space<vmem>>, vector<1x16xf32>,
      %swap3A_38 = vector.shape_cast %swap3A_37 : vector<1x16xf32> to vector<16xf32>
      %swap3A_39 = vector.shape_cast %add3A_34 : vector<16xf32> to vector<1x16xf32>
      tpu.vector_store %arg8[%swap3A_35, %swap3A_36], %swap3A_39 {strides = array<i32>} : memref<144x128xf32, #tpu.memory_space<vmem>>, vector<1x16xf32>,
    }
    %scan3A_11 = arith.constant 144 : i32
    "tpu.region"() ({
      %run_scoped3A = tpu.sem_alloc : memref<!tpu.dma_semaphore, #tpu.memory_space<semaphore_mem>>
      %dma_start3A_12 = arith.constant 0 : i32
      %dma_start3A_13 = tpu.memref_slice %arg5[%mul3A_2, %dma_start3A_12] : memref<4608x128xf32, #tpu.memory_space<hbm>> -> memref<144x128xf32, #tpu.memory_space<hbm>>
      %dma_start3A_14 = arith.constant 0 : i32
      %dma_start3A_15 = tpu.memref_slice %arg5[%mul3A_2, %dma_start3A_14] : memref<4608x128xf32, #tpu.memory_space<hbm>> -> memref<144x128xf32, #tpu.memory_space<hbm>>
      tpu.enqueue_dma source(%arg8 : memref<144x128xf32, #tpu.memory_space<vmem>>) target(%dma_start3A_15 : memref<144x128xf32, #tpu.memory_space<hbm>>) target_semaphore(%run_scoped3A : memref<!tpu.dma_semaphore, #tpu.memory_space<semaphore_mem>>)
      %dma_wait3A_16 = arith.constant 0 : i32
      %dma_wait3A_17 = tpu.memref_slice %arg5[%mul3A_2, %dma_wait3A_16] : memref<4608x128xf32, #tpu.memory_space<hbm>> -> memref<144x128xf32, #tpu.memory_space<hbm>>
      %dma_wait3A_18 = arith.constant 0 : i32
      %dma_wait3A_19 = tpu.memref_slice %arg5[%mul3A_2, %dma_wait3A_18] : memref<4608x128xf32, #tpu.memory_space<hbm>> -> memref<144x128xf32, #tpu.memory_space<hbm>>
      tpu.wait_dma2 semaphore(%run_scoped3A : memref<!tpu.dma_semaphore, #tpu.memory_space<semaphore_mem>>) src(%arg8 : memref<144x128xf32, #tpu.memory_space<vmem>>) dst(%dma_wait3A_19 : memref<144x128xf32, #tpu.memory_space<hbm>>)
      tpu.yield
    }) : () -> ()
    return
  }
}

module attributes {stable_mosaic.version = 14 : i64} {
  func.func @_vq_tc_body(%arg0: i32, %arg1: memref<2x576x32xf32, #tpu.memory_space<vmem>>, %arg2: memref<8192x32xf32, #tpu.memory_space<vmem>>, %arg3: memref<4608xi32, #tpu.memory_space<vmem>>, %arg4: memref<1x1xf32, #tpu.memory_space<smem>>, %arg5: memref<1152x128xf32, #tpu.memory_space<vmem>>, %arg6: memref<8192x128xf32, #tpu.memory_space<vmem>>, %arg7: memref<8x8192xf32, #tpu.memory_space<vmem>>) attributes {dimension_semantics = [#tpu.dimension_semantics<arbitrary>], iteration_bounds = array<i64: 4>, scalar_prefetch = 0 : i64, scratch_operands = 1 : i64, tpu.core_type = #tpu.core_type<tc>, window_params = [{transform_indices = @transform_0, window_bounds = array<i64: 2, 576, 32>}, {pipeline_mode = #tpu.pipeline_mode<synchronous>, transform_indices = @transform_1, window_bounds = array<i64: 8192, 32>}, {pipeline_mode = #tpu.pipeline_mode<synchronous>, transform_indices = @transform_2, window_bounds = array<i64: 4608>}, {transform_indices = @transform_3, window_bounds = array<i64: 1, 1>}, {transform_indices = @transform_4, window_bounds = array<i64: 1152, 128>}, {pipeline_mode = #tpu.pipeline_mode<synchronous>, transform_indices = @transform_5, window_bounds = array<i64: 8192, 128>}]} {
    %get3A = arith.constant 0 : index
    %get3A_0 = arith.constant 0 : index
    %get3A_1 = vector.load %arg2[%get3A, %get3A_0] : memref<8192x32xf32, #tpu.memory_space<vmem>>, vector<8192x32xf32>
    %get3A_2 = arith.constant 0 : index
    %get3A_3 = arith.constant 0 : index
    %get3A_4 = arith.constant 0 : index
    %get3A_5 = vector.load %arg1[%get3A_2, %get3A_3, %get3A_4] : memref<2x576x32xf32, #tpu.memory_space<vmem>>, vector<2x576x32xf32>
    %reshape3A = vector.shape_cast %get3A_5 : vector<2x576x32xf32> to vector<1152x32xf32>
    %jit3A = arith.constant 0 : i32
    %convert_element_type3A = arith.sitofp %jit3A : i32 to f32
    %pad3A = vector.broadcast %convert_element_type3A : f32 to vector<1152x96xf32>
    %pad3A_6 = tpu.concatenate %reshape3A, %pad3A in 1 : vector<1152x32xf32>, vector<1152x96xf32> -> vector<1152x128xf32>
    %swap3A = arith.constant 0 : index
    %swap3A_7 = arith.constant 0 : index
    %swap3A_8 = vector.load %arg5[%swap3A, %swap3A_7] : memref<1152x128xf32, #tpu.memory_space<vmem>>, vector<1152x128xf32>
    tpu.vector_store %arg5[%swap3A, %swap3A_7], %pad3A_6 {strides = array<i32>} : memref<1152x128xf32, #tpu.memory_space<vmem>>, vector<1152x128xf32>,
    %eq3A = arith.constant 0 : i32
    %eq3A_9 = arith.cmpi eq, %arg0, %eq3A : i32
    %convert_element_type3A_10 = arith.extui %eq3A_9 : i1 to i32
    %cond3A = arith.constant 0 : i32
    %cond3A_11 = arith.cmpi ne, %convert_element_type3A_10, %cond3A : i32
    scf.if %cond3A_11 {
      %jit3A_1007 = arith.constant 0 : i32
      %convert_element_type3A_1008 = arith.sitofp %jit3A_1007 : i32 to f32
      %pad3A_1009 = vector.broadcast %convert_element_type3A_1008 : f32 to vector<8192x96xf32>
      %pad3A_1010 = tpu.concatenate %get3A_1, %pad3A_1009 in 1 : vector<8192x32xf32>, vector<8192x96xf32> -> vector<8192x128xf32>
      %swap3A_1011 = arith.constant 0 : index
      %swap3A_1012 = arith.constant 0 : index
      %swap3A_1013 = vector.load %arg6[%swap3A_1011, %swap3A_1012] : memref<8192x128xf32, #tpu.memory_space<vmem>>, vector<8192x128xf32>
      tpu.vector_store %arg6[%swap3A_1011, %swap3A_1012], %pad3A_1010 {strides = array<i32>} : memref<8192x128xf32, #tpu.memory_space<vmem>>, vector<8192x128xf32>,
      %broadcast_in_dim3A_1014 = arith.constant 1.000000e+00 : f32
      %broadcast_in_dim3A_1015 = vector.broadcast %broadcast_in_dim3A_1014 : f32 to vector<8x32xf32>
      %mul3A_1016 = arith.mulf %get3A_1, %get3A_1 : vector<8192x32xf32>
      %dot_general3A_1017 = arith.constant dense<0.000000e+00> : vector<8x8192xf32>
      %dot_general3A_1018 = tpu.matmul %broadcast_in_dim3A_1015, %mul3A_1016, %dot_general3A_1017 {dimension_numbers = #tpu.dot_dimension_numbers<[1], [1], [0], [0], [0, 0, 1, 0], [], []>, transpose_lhs_hint = false} : vector<8x32xf32>, vector<8192x32xf32>, vector<8x8192xf32> -> vector<8x8192xf32>
      %swap3A_1019 = arith.constant 0 : index
      %swap3A_1020 = arith.constant 0 : index
      %swap3A_1021 = vector.load %arg7[%swap3A_1019, %swap3A_1020] : memref<8x8192xf32, #tpu.memory_space<vmem>>, vector<8x8192xf32>
      tpu.vector_store %arg7[%swap3A_1019, %swap3A_1020], %dot_general3A_1018 {strides = array<i32>} : memref<8x8192xf32, #tpu.memory_space<vmem>>, vector<8x8192xf32>,
      %swap3A_1022 = arith.constant 0.000000e+00 : f32
      %swap3A_1023 = arith.constant 0 : index
      %swap3A_1024 = arith.constant 0 : index
      %swap3A_1025 = memref.load %arg4[%swap3A_1023, %swap3A_1024] : memref<1x1xf32, #tpu.memory_space<smem>>
      memref.store %swap3A_1022, %arg4[%swap3A_1023, %swap3A_1024] : memref<1x1xf32, #tpu.memory_space<smem>>
    } else {
    }
    %mul3A = arith.mulf %reshape3A, %reshape3A : vector<1152x32xf32>
    %reduce_sum3A = arith.constant dense<0.000000e+00> : vector<1152xf32>
    %reduce_sum3A_12 = vector.multi_reduction <add>, %mul3A, %reduce_sum3A [1] : vector<1152x32xf32> to vector<1152xf32>
    %broadcast_in_dim3A = vector.shape_cast %reduce_sum3A_12 : vector<1152xf32> to vector<1152x1xf32>
    %convert_element_type3A_13 = arith.truncf %reshape3A : vector<1152x32xf32> to vector<1152x32xbf16>
    %convert_element_type3A_14 = arith.truncf %get3A_1 : vector<8192x32xf32> to vector<8192x32xbf16>
    %get3A_15 = arith.constant 0 : index
    %get3A_16 = arith.constant 0 : index
    %get3A_17 = vector.load %arg7[%get3A_15, %get3A_16] : memref<8x8192xf32, #tpu.memory_space<vmem>>, vector<1x8192xf32>
    %iota3A = tpu.iota {dimensions = array<i32: 1>} : vector<1152x128xi32>
    %slice3A = vector.extract_strided_slice %convert_element_type3A_14 {offsets = [0, 0], sizes = [2048, 32], strides = [1, 1]} : vector<8192x32xbf16> to vector<2048x32xbf16>
    %dot_general3A = arith.constant dense<0.000000e+00> : vector<1152x2048xf32>
    %dot_general3A_18 = tpu.matmul %convert_element_type3A_13, %slice3A, %dot_general3A {dimension_numbers = #tpu.dot_dimension_numbers<[1], [1], [0], [0], [0, 0, 1, 0], [], []>, transpose_lhs_hint = false} : vector<1152x32xbf16>, vector<2048x32xbf16>, vector<1152x2048xf32> -> vector<1152x2048xf32>
    %slice3A_19 = vector.extract_strided_slice %get3A_17 {offsets = [0, 0], sizes = [1, 128], strides = [1, 1]} : vector<1x8192xf32> to vector<1x128xf32>
    %add3A = vector.broadcast %broadcast_in_dim3A : vector<1152x1xf32> to vector<1152x128xf32>
    %add3A_20 = vector.broadcast %slice3A_19 : vector<1x128xf32> to vector<1152x128xf32>
    %add3A_21 = arith.addf %add3A, %add3A_20 : vector<1152x128xf32>
    %slice3A_22 = vector.extract_strided_slice %dot_general3A_18 {offsets = [0, 0], sizes = [1152, 128], strides = [1, 1]} : vector<1152x2048xf32> to vector<1152x128xf32>
    %mul3A_23 = arith.constant 2.000000e+00 : f32
    %mul3A_24 = vector.broadcast %mul3A_23 : f32 to vector<1152x128xf32>
    %mul3A_25 = arith.mulf %mul3A_24, %slice3A_22 : vector<1152x128xf32>
    %sub3A = arith.subf %add3A_21, %mul3A_25 : vector<1152x128xf32>
    %add3A_26 = arith.constant 0 : i32
    %add3A_27 = vector.broadcast %add3A_26 : i32 to vector<1152x128xi32>
    %add3A_28 = arith.addi %iota3A, %add3A_27 : vector<1152x128xi32>
    %slice3A_29 = vector.extract_strided_slice %get3A_17 {offsets = [0, 128], sizes = [1, 128], strides = [1, 1]} : vector<1x8192xf32> to vector<1x128xf32>
    %add3A_30 = vector.broadcast %broadcast_in_dim3A : vector<1152x1xf32> to vector<1152x128xf32>
    %add3A_31 = vector.broadcast %slice3A_29 : vector<1x128xf32> to vector<1152x128xf32>
    %add3A_32 = arith.addf %add3A_30, %add3A_31 : vector<1152x128xf32>
    %slice3A_33 = vector.extract_strided_slice %dot_general3A_18 {offsets = [0, 128], sizes = [1152, 128], strides = [1, 1]} : vector<1152x2048xf32> to vector<1152x128xf32>
    %mul3A_34 = arith.constant 2.000000e+00 : f32
    %mul3A_35 = vector.broadcast %mul3A_34 : f32 to vector<1152x128xf32>
    %mul3A_36 = arith.mulf %mul3A_35, %slice3A_33 : vector<1152x128xf32>
    %sub3A_37 = arith.subf %add3A_32, %mul3A_36 : vector<1152x128xf32>
    %add3A_38 = arith.constant 128 : i32
    %add3A_39 = vector.broadcast %add3A_38 : i32 to vector<1152x128xi32>
    %add3A_40 = arith.addi %iota3A, %add3A_39 : vector<1152x128xi32>
    %lt3A = arith.cmpf olt, %sub3A_37, %sub3A : vector<1152x128xf32>
    %select_n3A = arith.select %lt3A, %sub3A_37, %sub3A : vector<1152x128xi1>, vector<1152x128xf32>
    %select_n3A_41 = arith.select %lt3A, %add3A_40, %add3A_28 : vector<1152x128xi1>, vector<1152x128xi32>
    %slice3A_42 = vector.extract_strided_slice %get3A_17 {offsets = [0, 256], sizes = [1, 128], strides = [1, 1]} : vector<1x8192xf32> to vector<1x128xf32>
    %add3A_43 = vector.broadcast %broadcast_in_dim3A : vector<1152x1xf32> to vector<1152x128xf32>
    %add3A_44 = vector.broadcast %slice3A_42 : vector<1x128xf32> to vector<1152x128xf32>
    %add3A_45 = arith.addf %add3A_43, %add3A_44 : vector<1152x128xf32>
    %slice3A_46 = vector.extract_strided_slice %dot_general3A_18 {offsets = [0, 256], sizes = [1152, 128], strides = [1, 1]} : vector<1152x2048xf32> to vector<1152x128xf32>
    %mul3A_47 = arith.constant 2.000000e+00 : f32
    %mul3A_48 = vector.broadcast %mul3A_47 : f32 to vector<1152x128xf32>
    %mul3A_49 = arith.mulf %mul3A_48, %slice3A_46 : vector<1152x128xf32>
    %sub3A_50 = arith.subf %add3A_45, %mul3A_49 : vector<1152x128xf32>
    %add3A_51 = arith.constant 256 : i32
    %add3A_52 = vector.broadcast %add3A_51 : i32 to vector<1152x128xi32>
    %add3A_53 = arith.addi %iota3A, %add3A_52 : vector<1152x128xi32>
    %lt3A_54 = arith.cmpf olt, %sub3A_50, %select_n3A : vector<1152x128xf32>
    %select_n3A_55 = arith.select %lt3A_54, %sub3A_50, %select_n3A : vector<1152x128xi1>, vector<1152x128xf32>
    %select_n3A_56 = arith.select %lt3A_54, %add3A_53, %select_n3A_41 : vector<1152x128xi1>, vector<1152x128xi32>
    %slice3A_57 = vector.extract_strided_slice %get3A_17 {offsets = [0, 384], sizes = [1, 128], strides = [1, 1]} : vector<1x8192xf32> to vector<1x128xf32>
    %add3A_58 = vector.broadcast %broadcast_in_dim3A : vector<1152x1xf32> to vector<1152x128xf32>
    %add3A_59 = vector.broadcast %slice3A_57 : vector<1x128xf32> to vector<1152x128xf32>
    %add3A_60 = arith.addf %add3A_58, %add3A_59 : vector<1152x128xf32>
    %slice3A_61 = vector.extract_strided_slice %dot_general3A_18 {offsets = [0, 384], sizes = [1152, 128], strides = [1, 1]} : vector<1152x2048xf32> to vector<1152x128xf32>
    %mul3A_62 = arith.constant 2.000000e+00 : f32
    %mul3A_63 = vector.broadcast %mul3A_62 : f32 to vector<1152x128xf32>
    %mul3A_64 = arith.mulf %mul3A_63, %slice3A_61 : vector<1152x128xf32>
    %sub3A_65 = arith.subf %add3A_60, %mul3A_64 : vector<1152x128xf32>
    %add3A_66 = arith.constant 384 : i32
    %add3A_67 = vector.broadcast %add3A_66 : i32 to vector<1152x128xi32>
    %add3A_68 = arith.addi %iota3A, %add3A_67 : vector<1152x128xi32>
    %lt3A_69 = arith.cmpf olt, %sub3A_65, %select_n3A_55 : vector<1152x128xf32>
    %select_n3A_70 = arith.select %lt3A_69, %sub3A_65, %select_n3A_55 : vector<1152x128xi1>, vector<1152x128xf32>
    %select_n3A_71 = arith.select %lt3A_69, %add3A_68, %select_n3A_56 : vector<1152x128xi1>, vector<1152x128xi32>
    %slice3A_72 = vector.extract_strided_slice %get3A_17 {offsets = [0, 512], sizes = [1, 128], strides = [1, 1]} : vector<1x8192xf32> to vector<1x128xf32>
    %add3A_73 = vector.broadcast %broadcast_in_dim3A : vector<1152x1xf32> to vector<1152x128xf32>
    %add3A_74 = vector.broadcast %slice3A_72 : vector<1x128xf32> to vector<1152x128xf32>
    %add3A_75 = arith.addf %add3A_73, %add3A_74 : vector<1152x128xf32>
    %slice3A_76 = vector.extract_strided_slice %dot_general3A_18 {offsets = [0, 512], sizes = [1152, 128], strides = [1, 1]} : vector<1152x2048xf32> to vector<1152x128xf32>
    %mul3A_77 = arith.constant 2.000000e+00 : f32
    %mul3A_78 = vector.broadcast %mul3A_77 : f32 to vector<1152x128xf32>
    %mul3A_79 = arith.mulf %mul3A_78, %slice3A_76 : vector<1152x128xf32>
    %sub3A_80 = arith.subf %add3A_75, %mul3A_79 : vector<1152x128xf32>
    %add3A_81 = arith.constant 512 : i32
    %add3A_82 = vector.broadcast %add3A_81 : i32 to vector<1152x128xi32>
    %add3A_83 = arith.addi %iota3A, %add3A_82 : vector<1152x128xi32>
    %lt3A_84 = arith.cmpf olt, %sub3A_80, %select_n3A_70 : vector<1152x128xf32>
    %select_n3A_85 = arith.select %lt3A_84, %sub3A_80, %select_n3A_70 : vector<1152x128xi1>, vector<1152x128xf32>
    %select_n3A_86 = arith.select %lt3A_84, %add3A_83, %select_n3A_71 : vector<1152x128xi1>, vector<1152x128xi32>
    %slice3A_87 = vector.extract_strided_slice %get3A_17 {offsets = [0, 640], sizes = [1, 128], strides = [1, 1]} : vector<1x8192xf32> to vector<1x128xf32>
    %add3A_88 = vector.broadcast %broadcast_in_dim3A : vector<1152x1xf32> to vector<1152x128xf32>
    %add3A_89 = vector.broadcast %slice3A_87 : vector<1x128xf32> to vector<1152x128xf32>
    %add3A_90 = arith.addf %add3A_88, %add3A_89 : vector<1152x128xf32>
    %slice3A_91 = vector.extract_strided_slice %dot_general3A_18 {offsets = [0, 640], sizes = [1152, 128], strides = [1, 1]} : vector<1152x2048xf32> to vector<1152x128xf32>
    %mul3A_92 = arith.constant 2.000000e+00 : f32
    %mul3A_93 = vector.broadcast %mul3A_92 : f32 to vector<1152x128xf32>
    %mul3A_94 = arith.mulf %mul3A_93, %slice3A_91 : vector<1152x128xf32>
    %sub3A_95 = arith.subf %add3A_90, %mul3A_94 : vector<1152x128xf32>
    %add3A_96 = arith.constant 640 : i32
    %add3A_97 = vector.broadcast %add3A_96 : i32 to vector<1152x128xi32>
    %add3A_98 = arith.addi %iota3A, %add3A_97 : vector<1152x128xi32>
    %lt3A_99 = arith.cmpf olt, %sub3A_95, %select_n3A_85 : vector<1152x128xf32>
    %select_n3A_100 = arith.select %lt3A_99, %sub3A_95, %select_n3A_85 : vector<1152x128xi1>, vector<1152x128xf32>
    %select_n3A_101 = arith.select %lt3A_99, %add3A_98, %select_n3A_86 : vector<1152x128xi1>, vector<1152x128xi32>
    %slice3A_102 = vector.extract_strided_slice %get3A_17 {offsets = [0, 768], sizes = [1, 128], strides = [1, 1]} : vector<1x8192xf32> to vector<1x128xf32>
    %add3A_103 = vector.broadcast %broadcast_in_dim3A : vector<1152x1xf32> to vector<1152x128xf32>
    %add3A_104 = vector.broadcast %slice3A_102 : vector<1x128xf32> to vector<1152x128xf32>
    %add3A_105 = arith.addf %add3A_103, %add3A_104 : vector<1152x128xf32>
    %slice3A_106 = vector.extract_strided_slice %dot_general3A_18 {offsets = [0, 768], sizes = [1152, 128], strides = [1, 1]} : vector<1152x2048xf32> to vector<1152x128xf32>
    %mul3A_107 = arith.constant 2.000000e+00 : f32
    %mul3A_108 = vector.broadcast %mul3A_107 : f32 to vector<1152x128xf32>
    %mul3A_109 = arith.mulf %mul3A_108, %slice3A_106 : vector<1152x128xf32>
    %sub3A_110 = arith.subf %add3A_105, %mul3A_109 : vector<1152x128xf32>
    %add3A_111 = arith.constant 768 : i32
    %add3A_112 = vector.broadcast %add3A_111 : i32 to vector<1152x128xi32>
    %add3A_113 = arith.addi %iota3A, %add3A_112 : vector<1152x128xi32>
    %lt3A_114 = arith.cmpf olt, %sub3A_110, %select_n3A_100 : vector<1152x128xf32>
    %select_n3A_115 = arith.select %lt3A_114, %sub3A_110, %select_n3A_100 : vector<1152x128xi1>, vector<1152x128xf32>
    %select_n3A_116 = arith.select %lt3A_114, %add3A_113, %select_n3A_101 : vector<1152x128xi1>, vector<1152x128xi32>
    %slice3A_117 = vector.extract_strided_slice %get3A_17 {offsets = [0, 896], sizes = [1, 128], strides = [1, 1]} : vector<1x8192xf32> to vector<1x128xf32>
    %add3A_118 = vector.broadcast %broadcast_in_dim3A : vector<1152x1xf32> to vector<1152x128xf32>
    %add3A_119 = vector.broadcast %slice3A_117 : vector<1x128xf32> to vector<1152x128xf32>
    %add3A_120 = arith.addf %add3A_118, %add3A_119 : vector<1152x128xf32>
    %slice3A_121 = vector.extract_strided_slice %dot_general3A_18 {offsets = [0, 896], sizes = [1152, 128], strides = [1, 1]} : vector<1152x2048xf32> to vector<1152x128xf32>
    %mul3A_122 = arith.constant 2.000000e+00 : f32
    %mul3A_123 = vector.broadcast %mul3A_122 : f32 to vector<1152x128xf32>
    %mul3A_124 = arith.mulf %mul3A_123, %slice3A_121 : vector<1152x128xf32>
    %sub3A_125 = arith.subf %add3A_120, %mul3A_124 : vector<1152x128xf32>
    %add3A_126 = arith.constant 896 : i32
    %add3A_127 = vector.broadcast %add3A_126 : i32 to vector<1152x128xi32>
    %add3A_128 = arith.addi %iota3A, %add3A_127 : vector<1152x128xi32>
    %lt3A_129 = arith.cmpf olt, %sub3A_125, %select_n3A_115 : vector<1152x128xf32>
    %select_n3A_130 = arith.select %lt3A_129, %sub3A_125, %select_n3A_115 : vector<1152x128xi1>, vector<1152x128xf32>
    %select_n3A_131 = arith.select %lt3A_129, %add3A_128, %select_n3A_116 : vector<1152x128xi1>, vector<1152x128xi32>
    %slice3A_132 = vector.extract_strided_slice %get3A_17 {offsets = [0, 1024], sizes = [1, 128], strides = [1, 1]} : vector<1x8192xf32> to vector<1x128xf32>
    %add3A_133 = vector.broadcast %broadcast_in_dim3A : vector<1152x1xf32> to vector<1152x128xf32>
    %add3A_134 = vector.broadcast %slice3A_132 : vector<1x128xf32> to vector<1152x128xf32>
    %add3A_135 = arith.addf %add3A_133, %add3A_134 : vector<1152x128xf32>
    %slice3A_136 = vector.extract_strided_slice %dot_general3A_18 {offsets = [0, 1024], sizes = [1152, 128], strides = [1, 1]} : vector<1152x2048xf32> to vector<1152x128xf32>
    %mul3A_137 = arith.constant 2.000000e+00 : f32
    %mul3A_138 = vector.broadcast %mul3A_137 : f32 to vector<1152x128xf32>
    %mul3A_139 = arith.mulf %mul3A_138, %slice3A_136 : vector<1152x128xf32>
    %sub3A_140 = arith.subf %add3A_135, %mul3A_139 : vector<1152x128xf32>
    %add3A_141 = arith.constant 1024 : i32
    %add3A_142 = vector.broadcast %add3A_141 : i32 to vector<1152x128xi32>
    %add3A_143 = arith.addi %iota3A, %add3A_142 : vector<1152x128xi32>
    %lt3A_144 = arith.cmpf olt, %sub3A_140, %select_n3A_130 : vector<1152x128xf32>
    %select_n3A_145 = arith.select %lt3A_144, %sub3A_140, %select_n3A_130 : vector<1152x128xi1>, vector<1152x128xf32>
    %select_n3A_146 = arith.select %lt3A_144, %add3A_143, %select_n3A_131 : vector<1152x128xi1>, vector<1152x128xi32>
    %slice3A_147 = vector.extract_strided_slice %get3A_17 {offsets = [0, 1152], sizes = [1, 128], strides = [1, 1]} : vector<1x8192xf32> to vector<1x128xf32>
    %add3A_148 = vector.broadcast %broadcast_in_dim3A : vector<1152x1xf32> to vector<1152x128xf32>
    %add3A_149 = vector.broadcast %slice3A_147 : vector<1x128xf32> to vector<1152x128xf32>
    %add3A_150 = arith.addf %add3A_148, %add3A_149 : vector<1152x128xf32>
    %slice3A_151 = vector.extract_strided_slice %dot_general3A_18 {offsets = [0, 1152], sizes = [1152, 128], strides = [1, 1]} : vector<1152x2048xf32> to vector<1152x128xf32>
    %mul3A_152 = arith.constant 2.000000e+00 : f32
    %mul3A_153 = vector.broadcast %mul3A_152 : f32 to vector<1152x128xf32>
    %mul3A_154 = arith.mulf %mul3A_153, %slice3A_151 : vector<1152x128xf32>
    %sub3A_155 = arith.subf %add3A_150, %mul3A_154 : vector<1152x128xf32>
    %add3A_156 = arith.constant 1152 : i32
    %add3A_157 = vector.broadcast %add3A_156 : i32 to vector<1152x128xi32>
    %add3A_158 = arith.addi %iota3A, %add3A_157 : vector<1152x128xi32>
    %lt3A_159 = arith.cmpf olt, %sub3A_155, %select_n3A_145 : vector<1152x128xf32>
    %select_n3A_160 = arith.select %lt3A_159, %sub3A_155, %select_n3A_145 : vector<1152x128xi1>, vector<1152x128xf32>
    %select_n3A_161 = arith.select %lt3A_159, %add3A_158, %select_n3A_146 : vector<1152x128xi1>, vector<1152x128xi32>
    %slice3A_162 = vector.extract_strided_slice %get3A_17 {offsets = [0, 1280], sizes = [1, 128], strides = [1, 1]} : vector<1x8192xf32> to vector<1x128xf32>
    %add3A_163 = vector.broadcast %broadcast_in_dim3A : vector<1152x1xf32> to vector<1152x128xf32>
    %add3A_164 = vector.broadcast %slice3A_162 : vector<1x128xf32> to vector<1152x128xf32>
    %add3A_165 = arith.addf %add3A_163, %add3A_164 : vector<1152x128xf32>
    %slice3A_166 = vector.extract_strided_slice %dot_general3A_18 {offsets = [0, 1280], sizes = [1152, 128], strides = [1, 1]} : vector<1152x2048xf32> to vector<1152x128xf32>
    %mul3A_167 = arith.constant 2.000000e+00 : f32
    %mul3A_168 = vector.broadcast %mul3A_167 : f32 to vector<1152x128xf32>
    %mul3A_169 = arith.mulf %mul3A_168, %slice3A_166 : vector<1152x128xf32>
    %sub3A_170 = arith.subf %add3A_165, %mul3A_169 : vector<1152x128xf32>
    %add3A_171 = arith.constant 1280 : i32
    %add3A_172 = vector.broadcast %add3A_171 : i32 to vector<1152x128xi32>
    %add3A_173 = arith.addi %iota3A, %add3A_172 : vector<1152x128xi32>
    %lt3A_174 = arith.cmpf olt, %sub3A_170, %select_n3A_160 : vector<1152x128xf32>
    %select_n3A_175 = arith.select %lt3A_174, %sub3A_170, %select_n3A_160 : vector<1152x128xi1>, vector<1152x128xf32>
    %select_n3A_176 = arith.select %lt3A_174, %add3A_173, %select_n3A_161 : vector<1152x128xi1>, vector<1152x128xi32>
    %slice3A_177 = vector.extract_strided_slice %get3A_17 {offsets = [0, 1408], sizes = [1, 128], strides = [1, 1]} : vector<1x8192xf32> to vector<1x128xf32>
    %add3A_178 = vector.broadcast %broadcast_in_dim3A : vector<1152x1xf32> to vector<1152x128xf32>
    %add3A_179 = vector.broadcast %slice3A_177 : vector<1x128xf32> to vector<1152x128xf32>
    %add3A_180 = arith.addf %add3A_178, %add3A_179 : vector<1152x128xf32>
    %slice3A_181 = vector.extract_strided_slice %dot_general3A_18 {offsets = [0, 1408], sizes = [1152, 128], strides = [1, 1]} : vector<1152x2048xf32> to vector<1152x128xf32>
    %mul3A_182 = arith.constant 2.000000e+00 : f32
    %mul3A_183 = vector.broadcast %mul3A_182 : f32 to vector<1152x128xf32>
    %mul3A_184 = arith.mulf %mul3A_183, %slice3A_181 : vector<1152x128xf32>
    %sub3A_185 = arith.subf %add3A_180, %mul3A_184 : vector<1152x128xf32>
    %add3A_186 = arith.constant 1408 : i32
    %add3A_187 = vector.broadcast %add3A_186 : i32 to vector<1152x128xi32>
    %add3A_188 = arith.addi %iota3A, %add3A_187 : vector<1152x128xi32>
    %lt3A_189 = arith.cmpf olt, %sub3A_185, %select_n3A_175 : vector<1152x128xf32>
    %select_n3A_190 = arith.select %lt3A_189, %sub3A_185, %select_n3A_175 : vector<1152x128xi1>, vector<1152x128xf32>
    %select_n3A_191 = arith.select %lt3A_189, %add3A_188, %select_n3A_176 : vector<1152x128xi1>, vector<1152x128xi32>
    %slice3A_192 = vector.extract_strided_slice %get3A_17 {offsets = [0, 1536], sizes = [1, 128], strides = [1, 1]} : vector<1x8192xf32> to vector<1x128xf32>
    %add3A_193 = vector.broadcast %broadcast_in_dim3A : vector<1152x1xf32> to vector<1152x128xf32>
    %add3A_194 = vector.broadcast %slice3A_192 : vector<1x128xf32> to vector<1152x128xf32>
    %add3A_195 = arith.addf %add3A_193, %add3A_194 : vector<1152x128xf32>
    %slice3A_196 = vector.extract_strided_slice %dot_general3A_18 {offsets = [0, 1536], sizes = [1152, 128], strides = [1, 1]} : vector<1152x2048xf32> to vector<1152x128xf32>
    %mul3A_197 = arith.constant 2.000000e+00 : f32
    %mul3A_198 = vector.broadcast %mul3A_197 : f32 to vector<1152x128xf32>
    %mul3A_199 = arith.mulf %mul3A_198, %slice3A_196 : vector<1152x128xf32>
    %sub3A_200 = arith.subf %add3A_195, %mul3A_199 : vector<1152x128xf32>
    %add3A_201 = arith.constant 1536 : i32
    %add3A_202 = vector.broadcast %add3A_201 : i32 to vector<1152x128xi32>
    %add3A_203 = arith.addi %iota3A, %add3A_202 : vector<1152x128xi32>
    %lt3A_204 = arith.cmpf olt, %sub3A_200, %select_n3A_190 : vector<1152x128xf32>
    %select_n3A_205 = arith.select %lt3A_204, %sub3A_200, %select_n3A_190 : vector<1152x128xi1>, vector<1152x128xf32>
    %select_n3A_206 = arith.select %lt3A_204, %add3A_203, %select_n3A_191 : vector<1152x128xi1>, vector<1152x128xi32>
    %slice3A_207 = vector.extract_strided_slice %get3A_17 {offsets = [0, 1664], sizes = [1, 128], strides = [1, 1]} : vector<1x8192xf32> to vector<1x128xf32>
    %add3A_208 = vector.broadcast %broadcast_in_dim3A : vector<1152x1xf32> to vector<1152x128xf32>
    %add3A_209 = vector.broadcast %slice3A_207 : vector<1x128xf32> to vector<1152x128xf32>
    %add3A_210 = arith.addf %add3A_208, %add3A_209 : vector<1152x128xf32>
    %slice3A_211 = vector.extract_strided_slice %dot_general3A_18 {offsets = [0, 1664], sizes = [1152, 128], strides = [1, 1]} : vector<1152x2048xf32> to vector<1152x128xf32>
    %mul3A_212 = arith.constant 2.000000e+00 : f32
    %mul3A_213 = vector.broadcast %mul3A_212 : f32 to vector<1152x128xf32>
    %mul3A_214 = arith.mulf %mul3A_213, %slice3A_211 : vector<1152x128xf32>
    %sub3A_215 = arith.subf %add3A_210, %mul3A_214 : vector<1152x128xf32>
    %add3A_216 = arith.constant 1664 : i32
    %add3A_217 = vector.broadcast %add3A_216 : i32 to vector<1152x128xi32>
    %add3A_218 = arith.addi %iota3A, %add3A_217 : vector<1152x128xi32>
    %lt3A_219 = arith.cmpf olt, %sub3A_215, %select_n3A_205 : vector<1152x128xf32>
    %select_n3A_220 = arith.select %lt3A_219, %sub3A_215, %select_n3A_205 : vector<1152x128xi1>, vector<1152x128xf32>
    %select_n3A_221 = arith.select %lt3A_219, %add3A_218, %select_n3A_206 : vector<1152x128xi1>, vector<1152x128xi32>
    %slice3A_222 = vector.extract_strided_slice %get3A_17 {offsets = [0, 1792], sizes = [1, 128], strides = [1, 1]} : vector<1x8192xf32> to vector<1x128xf32>
    %add3A_223 = vector.broadcast %broadcast_in_dim3A : vector<1152x1xf32> to vector<1152x128xf32>
    %add3A_224 = vector.broadcast %slice3A_222 : vector<1x128xf32> to vector<1152x128xf32>
    %add3A_225 = arith.addf %add3A_223, %add3A_224 : vector<1152x128xf32>
    %slice3A_226 = vector.extract_strided_slice %dot_general3A_18 {offsets = [0, 1792], sizes = [1152, 128], strides = [1, 1]} : vector<1152x2048xf32> to vector<1152x128xf32>
    %mul3A_227 = arith.constant 2.000000e+00 : f32
    %mul3A_228 = vector.broadcast %mul3A_227 : f32 to vector<1152x128xf32>
    %mul3A_229 = arith.mulf %mul3A_228, %slice3A_226 : vector<1152x128xf32>
    %sub3A_230 = arith.subf %add3A_225, %mul3A_229 : vector<1152x128xf32>
    %add3A_231 = arith.constant 1792 : i32
    %add3A_232 = vector.broadcast %add3A_231 : i32 to vector<1152x128xi32>
    %add3A_233 = arith.addi %iota3A, %add3A_232 : vector<1152x128xi32>
    %lt3A_234 = arith.cmpf olt, %sub3A_230, %select_n3A_220 : vector<1152x128xf32>
    %select_n3A_235 = arith.select %lt3A_234, %sub3A_230, %select_n3A_220 : vector<1152x128xi1>, vector<1152x128xf32>
    %select_n3A_236 = arith.select %lt3A_234, %add3A_233, %select_n3A_221 : vector<1152x128xi1>, vector<1152x128xi32>
    %slice3A_237 = vector.extract_strided_slice %get3A_17 {offsets = [0, 1920], sizes = [1, 128], strides = [1, 1]} : vector<1x8192xf32> to vector<1x128xf32>
    %add3A_238 = vector.broadcast %broadcast_in_dim3A : vector<1152x1xf32> to vector<1152x128xf32>
    %add3A_239 = vector.broadcast %slice3A_237 : vector<1x128xf32> to vector<1152x128xf32>
    %add3A_240 = arith.addf %add3A_238, %add3A_239 : vector<1152x128xf32>
    %slice3A_241 = vector.extract_strided_slice %dot_general3A_18 {offsets = [0, 1920], sizes = [1152, 128], strides = [1, 1]} : vector<1152x2048xf32> to vector<1152x128xf32>
    %mul3A_242 = arith.constant 2.000000e+00 : f32
    %mul3A_243 = vector.broadcast %mul3A_242 : f32 to vector<1152x128xf32>
    %mul3A_244 = arith.mulf %mul3A_243, %slice3A_241 : vector<1152x128xf32>
    %sub3A_245 = arith.subf %add3A_240, %mul3A_244 : vector<1152x128xf32>
    %add3A_246 = arith.constant 1920 : i32
    %add3A_247 = vector.broadcast %add3A_246 : i32 to vector<1152x128xi32>
    %add3A_248 = arith.addi %iota3A, %add3A_247 : vector<1152x128xi32>
    %lt3A_249 = arith.cmpf olt, %sub3A_245, %select_n3A_235 : vector<1152x128xf32>
    %select_n3A_250 = arith.select %lt3A_249, %sub3A_245, %select_n3A_235 : vector<1152x128xi1>, vector<1152x128xf32>
    %select_n3A_251 = arith.select %lt3A_249, %add3A_248, %select_n3A_236 : vector<1152x128xi1>, vector<1152x128xi32>
    %slice3A_252 = vector.extract_strided_slice %convert_element_type3A_14 {offsets = [2048, 0], sizes = [2048, 32], strides = [1, 1]} : vector<8192x32xbf16> to vector<2048x32xbf16>
    %dot_general3A_253 = arith.constant dense<0.000000e+00> : vector<1152x2048xf32>
    %dot_general3A_254 = tpu.matmul %convert_element_type3A_13, %slice3A_252, %dot_general3A_253 {dimension_numbers = #tpu.dot_dimension_numbers<[1], [1], [0], [0], [0, 0, 1, 0], [], []>, transpose_lhs_hint = false} : vector<1152x32xbf16>, vector<2048x32xbf16>, vector<1152x2048xf32> -> vector<1152x2048xf32>
    %slice3A_255 = vector.extract_strided_slice %get3A_17 {offsets = [0, 2048], sizes = [1, 128], strides = [1, 1]} : vector<1x8192xf32> to vector<1x128xf32>
    %add3A_256 = vector.broadcast %broadcast_in_dim3A : vector<1152x1xf32> to vector<1152x128xf32>
    %add3A_257 = vector.broadcast %slice3A_255 : vector<1x128xf32> to vector<1152x128xf32>
    %add3A_258 = arith.addf %add3A_256, %add3A_257 : vector<1152x128xf32>
    %slice3A_259 = vector.extract_strided_slice %dot_general3A_254 {offsets = [0, 0], sizes = [1152, 128], strides = [1, 1]} : vector<1152x2048xf32> to vector<1152x128xf32>
    %mul3A_260 = arith.constant 2.000000e+00 : f32
    %mul3A_261 = vector.broadcast %mul3A_260 : f32 to vector<1152x128xf32>
    %mul3A_262 = arith.mulf %mul3A_261, %slice3A_259 : vector<1152x128xf32>
    %sub3A_263 = arith.subf %add3A_258, %mul3A_262 : vector<1152x128xf32>
    %add3A_264 = arith.constant 2048 : i32
    %add3A_265 = vector.broadcast %add3A_264 : i32 to vector<1152x128xi32>
    %add3A_266 = arith.addi %iota3A, %add3A_265 : vector<1152x128xi32>
    %lt3A_267 = arith.cmpf olt, %sub3A_263, %select_n3A_250 : vector<1152x128xf32>
    %select_n3A_268 = arith.select %lt3A_267, %sub3A_263, %select_n3A_250 : vector<1152x128xi1>, vector<1152x128xf32>
    %select_n3A_269 = arith.select %lt3A_267, %add3A_266, %select_n3A_251 : vector<1152x128xi1>, vector<1152x128xi32>
    %slice3A_270 = vector.extract_strided_slice %get3A_17 {offsets = [0, 2176], sizes = [1, 128], strides = [1, 1]} : vector<1x8192xf32> to vector<1x128xf32>
    %add3A_271 = vector.broadcast %broadcast_in_dim3A : vector<1152x1xf32> to vector<1152x128xf32>
    %add3A_272 = vector.broadcast %slice3A_270 : vector<1x128xf32> to vector<1152x128xf32>
    %add3A_273 = arith.addf %add3A_271, %add3A_272 : vector<1152x128xf32>
    %slice3A_274 = vector.extract_strided_slice %dot_general3A_254 {offsets = [0, 128], sizes = [1152, 128], strides = [1, 1]} : vector<1152x2048xf32> to vector<1152x128xf32>
    %mul3A_275 = arith.constant 2.000000e+00 : f32
    %mul3A_276 = vector.broadcast %mul3A_275 : f32 to vector<1152x128xf32>
    %mul3A_277 = arith.mulf %mul3A_276, %slice3A_274 : vector<1152x128xf32>
    %sub3A_278 = arith.subf %add3A_273, %mul3A_277 : vector<1152x128xf32>
    %add3A_279 = arith.constant 2176 : i32
    %add3A_280 = vector.broadcast %add3A_279 : i32 to vector<1152x128xi32>
    %add3A_281 = arith.addi %iota3A, %add3A_280 : vector<1152x128xi32>
    %lt3A_282 = arith.cmpf olt, %sub3A_278, %select_n3A_268 : vector<1152x128xf32>
    %select_n3A_283 = arith.select %lt3A_282, %sub3A_278, %select_n3A_268 : vector<1152x128xi1>, vector<1152x128xf32>
    %select_n3A_284 = arith.select %lt3A_282, %add3A_281, %select_n3A_269 : vector<1152x128xi1>, vector<1152x128xi32>
    %slice3A_285 = vector.extract_strided_slice %get3A_17 {offsets = [0, 2304], sizes = [1, 128], strides = [1, 1]} : vector<1x8192xf32> to vector<1x128xf32>
    %add3A_286 = vector.broadcast %broadcast_in_dim3A : vector<1152x1xf32> to vector<1152x128xf32>
    %add3A_287 = vector.broadcast %slice3A_285 : vector<1x128xf32> to vector<1152x128xf32>
    %add3A_288 = arith.addf %add3A_286, %add3A_287 : vector<1152x128xf32>
    %slice3A_289 = vector.extract_strided_slice %dot_general3A_254 {offsets = [0, 256], sizes = [1152, 128], strides = [1, 1]} : vector<1152x2048xf32> to vector<1152x128xf32>
    %mul3A_290 = arith.constant 2.000000e+00 : f32
    %mul3A_291 = vector.broadcast %mul3A_290 : f32 to vector<1152x128xf32>
    %mul3A_292 = arith.mulf %mul3A_291, %slice3A_289 : vector<1152x128xf32>
    %sub3A_293 = arith.subf %add3A_288, %mul3A_292 : vector<1152x128xf32>
    %add3A_294 = arith.constant 2304 : i32
    %add3A_295 = vector.broadcast %add3A_294 : i32 to vector<1152x128xi32>
    %add3A_296 = arith.addi %iota3A, %add3A_295 : vector<1152x128xi32>
    %lt3A_297 = arith.cmpf olt, %sub3A_293, %select_n3A_283 : vector<1152x128xf32>
    %select_n3A_298 = arith.select %lt3A_297, %sub3A_293, %select_n3A_283 : vector<1152x128xi1>, vector<1152x128xf32>
    %select_n3A_299 = arith.select %lt3A_297, %add3A_296, %select_n3A_284 : vector<1152x128xi1>, vector<1152x128xi32>
    %slice3A_300 = vector.extract_strided_slice %get3A_17 {offsets = [0, 2432], sizes = [1, 128], strides = [1, 1]} : vector<1x8192xf32> to vector<1x128xf32>
    %add3A_301 = vector.broadcast %broadcast_in_dim3A : vector<1152x1xf32> to vector<1152x128xf32>
    %add3A_302 = vector.broadcast %slice3A_300 : vector<1x128xf32> to vector<1152x128xf32>
    %add3A_303 = arith.addf %add3A_301, %add3A_302 : vector<1152x128xf32>
    %slice3A_304 = vector.extract_strided_slice %dot_general3A_254 {offsets = [0, 384], sizes = [1152, 128], strides = [1, 1]} : vector<1152x2048xf32> to vector<1152x128xf32>
    %mul3A_305 = arith.constant 2.000000e+00 : f32
    %mul3A_306 = vector.broadcast %mul3A_305 : f32 to vector<1152x128xf32>
    %mul3A_307 = arith.mulf %mul3A_306, %slice3A_304 : vector<1152x128xf32>
    %sub3A_308 = arith.subf %add3A_303, %mul3A_307 : vector<1152x128xf32>
    %add3A_309 = arith.constant 2432 : i32
    %add3A_310 = vector.broadcast %add3A_309 : i32 to vector<1152x128xi32>
    %add3A_311 = arith.addi %iota3A, %add3A_310 : vector<1152x128xi32>
    %lt3A_312 = arith.cmpf olt, %sub3A_308, %select_n3A_298 : vector<1152x128xf32>
    %select_n3A_313 = arith.select %lt3A_312, %sub3A_308, %select_n3A_298 : vector<1152x128xi1>, vector<1152x128xf32>
    %select_n3A_314 = arith.select %lt3A_312, %add3A_311, %select_n3A_299 : vector<1152x128xi1>, vector<1152x128xi32>
    %slice3A_315 = vector.extract_strided_slice %get3A_17 {offsets = [0, 2560], sizes = [1, 128], strides = [1, 1]} : vector<1x8192xf32> to vector<1x128xf32>
    %add3A_316 = vector.broadcast %broadcast_in_dim3A : vector<1152x1xf32> to vector<1152x128xf32>
    %add3A_317 = vector.broadcast %slice3A_315 : vector<1x128xf32> to vector<1152x128xf32>
    %add3A_318 = arith.addf %add3A_316, %add3A_317 : vector<1152x128xf32>
    %slice3A_319 = vector.extract_strided_slice %dot_general3A_254 {offsets = [0, 512], sizes = [1152, 128], strides = [1, 1]} : vector<1152x2048xf32> to vector<1152x128xf32>
    %mul3A_320 = arith.constant 2.000000e+00 : f32
    %mul3A_321 = vector.broadcast %mul3A_320 : f32 to vector<1152x128xf32>
    %mul3A_322 = arith.mulf %mul3A_321, %slice3A_319 : vector<1152x128xf32>
    %sub3A_323 = arith.subf %add3A_318, %mul3A_322 : vector<1152x128xf32>
    %add3A_324 = arith.constant 2560 : i32
    %add3A_325 = vector.broadcast %add3A_324 : i32 to vector<1152x128xi32>
    %add3A_326 = arith.addi %iota3A, %add3A_325 : vector<1152x128xi32>
    %lt3A_327 = arith.cmpf olt, %sub3A_323, %select_n3A_313 : vector<1152x128xf32>
    %select_n3A_328 = arith.select %lt3A_327, %sub3A_323, %select_n3A_313 : vector<1152x128xi1>, vector<1152x128xf32>
    %select_n3A_329 = arith.select %lt3A_327, %add3A_326, %select_n3A_314 : vector<1152x128xi1>, vector<1152x128xi32>
    %slice3A_330 = vector.extract_strided_slice %get3A_17 {offsets = [0, 2688], sizes = [1, 128], strides = [1, 1]} : vector<1x8192xf32> to vector<1x128xf32>
    %add3A_331 = vector.broadcast %broadcast_in_dim3A : vector<1152x1xf32> to vector<1152x128xf32>
    %add3A_332 = vector.broadcast %slice3A_330 : vector<1x128xf32> to vector<1152x128xf32>
    %add3A_333 = arith.addf %add3A_331, %add3A_332 : vector<1152x128xf32>
    %slice3A_334 = vector.extract_strided_slice %dot_general3A_254 {offsets = [0, 640], sizes = [1152, 128], strides = [1, 1]} : vector<1152x2048xf32> to vector<1152x128xf32>
    %mul3A_335 = arith.constant 2.000000e+00 : f32
    %mul3A_336 = vector.broadcast %mul3A_335 : f32 to vector<1152x128xf32>
    %mul3A_337 = arith.mulf %mul3A_336, %slice3A_334 : vector<1152x128xf32>
    %sub3A_338 = arith.subf %add3A_333, %mul3A_337 : vector<1152x128xf32>
    %add3A_339 = arith.constant 2688 : i32
    %add3A_340 = vector.broadcast %add3A_339 : i32 to vector<1152x128xi32>
    %add3A_341 = arith.addi %iota3A, %add3A_340 : vector<1152x128xi32>
    %lt3A_342 = arith.cmpf olt, %sub3A_338, %select_n3A_328 : vector<1152x128xf32>
    %select_n3A_343 = arith.select %lt3A_342, %sub3A_338, %select_n3A_328 : vector<1152x128xi1>, vector<1152x128xf32>
    %select_n3A_344 = arith.select %lt3A_342, %add3A_341, %select_n3A_329 : vector<1152x128xi1>, vector<1152x128xi32>
    %slice3A_345 = vector.extract_strided_slice %get3A_17 {offsets = [0, 2816], sizes = [1, 128], strides = [1, 1]} : vector<1x8192xf32> to vector<1x128xf32>
    %add3A_346 = vector.broadcast %broadcast_in_dim3A : vector<1152x1xf32> to vector<1152x128xf32>
    %add3A_347 = vector.broadcast %slice3A_345 : vector<1x128xf32> to vector<1152x128xf32>
    %add3A_348 = arith.addf %add3A_346, %add3A_347 : vector<1152x128xf32>
    %slice3A_349 = vector.extract_strided_slice %dot_general3A_254 {offsets = [0, 768], sizes = [1152, 128], strides = [1, 1]} : vector<1152x2048xf32> to vector<1152x128xf32>
    %mul3A_350 = arith.constant 2.000000e+00 : f32
    %mul3A_351 = vector.broadcast %mul3A_350 : f32 to vector<1152x128xf32>
    %mul3A_352 = arith.mulf %mul3A_351, %slice3A_349 : vector<1152x128xf32>
    %sub3A_353 = arith.subf %add3A_348, %mul3A_352 : vector<1152x128xf32>
    %add3A_354 = arith.constant 2816 : i32
    %add3A_355 = vector.broadcast %add3A_354 : i32 to vector<1152x128xi32>
    %add3A_356 = arith.addi %iota3A, %add3A_355 : vector<1152x128xi32>
    %lt3A_357 = arith.cmpf olt, %sub3A_353, %select_n3A_343 : vector<1152x128xf32>
    %select_n3A_358 = arith.select %lt3A_357, %sub3A_353, %select_n3A_343 : vector<1152x128xi1>, vector<1152x128xf32>
    %select_n3A_359 = arith.select %lt3A_357, %add3A_356, %select_n3A_344 : vector<1152x128xi1>, vector<1152x128xi32>
    %slice3A_360 = vector.extract_strided_slice %get3A_17 {offsets = [0, 2944], sizes = [1, 128], strides = [1, 1]} : vector<1x8192xf32> to vector<1x128xf32>
    %add3A_361 = vector.broadcast %broadcast_in_dim3A : vector<1152x1xf32> to vector<1152x128xf32>
    %add3A_362 = vector.broadcast %slice3A_360 : vector<1x128xf32> to vector<1152x128xf32>
    %add3A_363 = arith.addf %add3A_361, %add3A_362 : vector<1152x128xf32>
    %slice3A_364 = vector.extract_strided_slice %dot_general3A_254 {offsets = [0, 896], sizes = [1152, 128], strides = [1, 1]} : vector<1152x2048xf32> to vector<1152x128xf32>
    %mul3A_365 = arith.constant 2.000000e+00 : f32
    %mul3A_366 = vector.broadcast %mul3A_365 : f32 to vector<1152x128xf32>
    %mul3A_367 = arith.mulf %mul3A_366, %slice3A_364 : vector<1152x128xf32>
    %sub3A_368 = arith.subf %add3A_363, %mul3A_367 : vector<1152x128xf32>
    %add3A_369 = arith.constant 2944 : i32
    %add3A_370 = vector.broadcast %add3A_369 : i32 to vector<1152x128xi32>
    %add3A_371 = arith.addi %iota3A, %add3A_370 : vector<1152x128xi32>
    %lt3A_372 = arith.cmpf olt, %sub3A_368, %select_n3A_358 : vector<1152x128xf32>
    %select_n3A_373 = arith.select %lt3A_372, %sub3A_368, %select_n3A_358 : vector<1152x128xi1>, vector<1152x128xf32>
    %select_n3A_374 = arith.select %lt3A_372, %add3A_371, %select_n3A_359 : vector<1152x128xi1>, vector<1152x128xi32>
    %slice3A_375 = vector.extract_strided_slice %get3A_17 {offsets = [0, 3072], sizes = [1, 128], strides = [1, 1]} : vector<1x8192xf32> to vector<1x128xf32>
    %add3A_376 = vector.broadcast %broadcast_in_dim3A : vector<1152x1xf32> to vector<1152x128xf32>
    %add3A_377 = vector.broadcast %slice3A_375 : vector<1x128xf32> to vector<1152x128xf32>
    %add3A_378 = arith.addf %add3A_376, %add3A_377 : vector<1152x128xf32>
    %slice3A_379 = vector.extract_strided_slice %dot_general3A_254 {offsets = [0, 1024], sizes = [1152, 128], strides = [1, 1]} : vector<1152x2048xf32> to vector<1152x128xf32>
    %mul3A_380 = arith.constant 2.000000e+00 : f32
    %mul3A_381 = vector.broadcast %mul3A_380 : f32 to vector<1152x128xf32>
    %mul3A_382 = arith.mulf %mul3A_381, %slice3A_379 : vector<1152x128xf32>
    %sub3A_383 = arith.subf %add3A_378, %mul3A_382 : vector<1152x128xf32>
    %add3A_384 = arith.constant 3072 : i32
    %add3A_385 = vector.broadcast %add3A_384 : i32 to vector<1152x128xi32>
    %add3A_386 = arith.addi %iota3A, %add3A_385 : vector<1152x128xi32>
    %lt3A_387 = arith.cmpf olt, %sub3A_383, %select_n3A_373 : vector<1152x128xf32>
    %select_n3A_388 = arith.select %lt3A_387, %sub3A_383, %select_n3A_373 : vector<1152x128xi1>, vector<1152x128xf32>
    %select_n3A_389 = arith.select %lt3A_387, %add3A_386, %select_n3A_374 : vector<1152x128xi1>, vector<1152x128xi32>
    %slice3A_390 = vector.extract_strided_slice %get3A_17 {offsets = [0, 3200], sizes = [1, 128], strides = [1, 1]} : vector<1x8192xf32> to vector<1x128xf32>
    %add3A_391 = vector.broadcast %broadcast_in_dim3A : vector<1152x1xf32> to vector<1152x128xf32>
    %add3A_392 = vector.broadcast %slice3A_390 : vector<1x128xf32> to vector<1152x128xf32>
    %add3A_393 = arith.addf %add3A_391, %add3A_392 : vector<1152x128xf32>
    %slice3A_394 = vector.extract_strided_slice %dot_general3A_254 {offsets = [0, 1152], sizes = [1152, 128], strides = [1, 1]} : vector<1152x2048xf32> to vector<1152x128xf32>
    %mul3A_395 = arith.constant 2.000000e+00 : f32
    %mul3A_396 = vector.broadcast %mul3A_395 : f32 to vector<1152x128xf32>
    %mul3A_397 = arith.mulf %mul3A_396, %slice3A_394 : vector<1152x128xf32>
    %sub3A_398 = arith.subf %add3A_393, %mul3A_397 : vector<1152x128xf32>
    %add3A_399 = arith.constant 3200 : i32
    %add3A_400 = vector.broadcast %add3A_399 : i32 to vector<1152x128xi32>
    %add3A_401 = arith.addi %iota3A, %add3A_400 : vector<1152x128xi32>
    %lt3A_402 = arith.cmpf olt, %sub3A_398, %select_n3A_388 : vector<1152x128xf32>
    %select_n3A_403 = arith.select %lt3A_402, %sub3A_398, %select_n3A_388 : vector<1152x128xi1>, vector<1152x128xf32>
    %select_n3A_404 = arith.select %lt3A_402, %add3A_401, %select_n3A_389 : vector<1152x128xi1>, vector<1152x128xi32>
    %slice3A_405 = vector.extract_strided_slice %get3A_17 {offsets = [0, 3328], sizes = [1, 128], strides = [1, 1]} : vector<1x8192xf32> to vector<1x128xf32>
    %add3A_406 = vector.broadcast %broadcast_in_dim3A : vector<1152x1xf32> to vector<1152x128xf32>
    %add3A_407 = vector.broadcast %slice3A_405 : vector<1x128xf32> to vector<1152x128xf32>
    %add3A_408 = arith.addf %add3A_406, %add3A_407 : vector<1152x128xf32>
    %slice3A_409 = vector.extract_strided_slice %dot_general3A_254 {offsets = [0, 1280], sizes = [1152, 128], strides = [1, 1]} : vector<1152x2048xf32> to vector<1152x128xf32>
    %mul3A_410 = arith.constant 2.000000e+00 : f32
    %mul3A_411 = vector.broadcast %mul3A_410 : f32 to vector<1152x128xf32>
    %mul3A_412 = arith.mulf %mul3A_411, %slice3A_409 : vector<1152x128xf32>
    %sub3A_413 = arith.subf %add3A_408, %mul3A_412 : vector<1152x128xf32>
    %add3A_414 = arith.constant 3328 : i32
    %add3A_415 = vector.broadcast %add3A_414 : i32 to vector<1152x128xi32>
    %add3A_416 = arith.addi %iota3A, %add3A_415 : vector<1152x128xi32>
    %lt3A_417 = arith.cmpf olt, %sub3A_413, %select_n3A_403 : vector<1152x128xf32>
    %select_n3A_418 = arith.select %lt3A_417, %sub3A_413, %select_n3A_403 : vector<1152x128xi1>, vector<1152x128xf32>
    %select_n3A_419 = arith.select %lt3A_417, %add3A_416, %select_n3A_404 : vector<1152x128xi1>, vector<1152x128xi32>
    %slice3A_420 = vector.extract_strided_slice %get3A_17 {offsets = [0, 3456], sizes = [1, 128], strides = [1, 1]} : vector<1x8192xf32> to vector<1x128xf32>
    %add3A_421 = vector.broadcast %broadcast_in_dim3A : vector<1152x1xf32> to vector<1152x128xf32>
    %add3A_422 = vector.broadcast %slice3A_420 : vector<1x128xf32> to vector<1152x128xf32>
    %add3A_423 = arith.addf %add3A_421, %add3A_422 : vector<1152x128xf32>
    %slice3A_424 = vector.extract_strided_slice %dot_general3A_254 {offsets = [0, 1408], sizes = [1152, 128], strides = [1, 1]} : vector<1152x2048xf32> to vector<1152x128xf32>
    %mul3A_425 = arith.constant 2.000000e+00 : f32
    %mul3A_426 = vector.broadcast %mul3A_425 : f32 to vector<1152x128xf32>
    %mul3A_427 = arith.mulf %mul3A_426, %slice3A_424 : vector<1152x128xf32>
    %sub3A_428 = arith.subf %add3A_423, %mul3A_427 : vector<1152x128xf32>
    %add3A_429 = arith.constant 3456 : i32
    %add3A_430 = vector.broadcast %add3A_429 : i32 to vector<1152x128xi32>
    %add3A_431 = arith.addi %iota3A, %add3A_430 : vector<1152x128xi32>
    %lt3A_432 = arith.cmpf olt, %sub3A_428, %select_n3A_418 : vector<1152x128xf32>
    %select_n3A_433 = arith.select %lt3A_432, %sub3A_428, %select_n3A_418 : vector<1152x128xi1>, vector<1152x128xf32>
    %select_n3A_434 = arith.select %lt3A_432, %add3A_431, %select_n3A_419 : vector<1152x128xi1>, vector<1152x128xi32>
    %slice3A_435 = vector.extract_strided_slice %get3A_17 {offsets = [0, 3584], sizes = [1, 128], strides = [1, 1]} : vector<1x8192xf32> to vector<1x128xf32>
    %add3A_436 = vector.broadcast %broadcast_in_dim3A : vector<1152x1xf32> to vector<1152x128xf32>
    %add3A_437 = vector.broadcast %slice3A_435 : vector<1x128xf32> to vector<1152x128xf32>
    %add3A_438 = arith.addf %add3A_436, %add3A_437 : vector<1152x128xf32>
    %slice3A_439 = vector.extract_strided_slice %dot_general3A_254 {offsets = [0, 1536], sizes = [1152, 128], strides = [1, 1]} : vector<1152x2048xf32> to vector<1152x128xf32>
    %mul3A_440 = arith.constant 2.000000e+00 : f32
    %mul3A_441 = vector.broadcast %mul3A_440 : f32 to vector<1152x128xf32>
    %mul3A_442 = arith.mulf %mul3A_441, %slice3A_439 : vector<1152x128xf32>
    %sub3A_443 = arith.subf %add3A_438, %mul3A_442 : vector<1152x128xf32>
    %add3A_444 = arith.constant 3584 : i32
    %add3A_445 = vector.broadcast %add3A_444 : i32 to vector<1152x128xi32>
    %add3A_446 = arith.addi %iota3A, %add3A_445 : vector<1152x128xi32>
    %lt3A_447 = arith.cmpf olt, %sub3A_443, %select_n3A_433 : vector<1152x128xf32>
    %select_n3A_448 = arith.select %lt3A_447, %sub3A_443, %select_n3A_433 : vector<1152x128xi1>, vector<1152x128xf32>
    %select_n3A_449 = arith.select %lt3A_447, %add3A_446, %select_n3A_434 : vector<1152x128xi1>, vector<1152x128xi32>
    %slice3A_450 = vector.extract_strided_slice %get3A_17 {offsets = [0, 3712], sizes = [1, 128], strides = [1, 1]} : vector<1x8192xf32> to vector<1x128xf32>
    %add3A_451 = vector.broadcast %broadcast_in_dim3A : vector<1152x1xf32> to vector<1152x128xf32>
    %add3A_452 = vector.broadcast %slice3A_450 : vector<1x128xf32> to vector<1152x128xf32>
    %add3A_453 = arith.addf %add3A_451, %add3A_452 : vector<1152x128xf32>
    %slice3A_454 = vector.extract_strided_slice %dot_general3A_254 {offsets = [0, 1664], sizes = [1152, 128], strides = [1, 1]} : vector<1152x2048xf32> to vector<1152x128xf32>
    %mul3A_455 = arith.constant 2.000000e+00 : f32
    %mul3A_456 = vector.broadcast %mul3A_455 : f32 to vector<1152x128xf32>
    %mul3A_457 = arith.mulf %mul3A_456, %slice3A_454 : vector<1152x128xf32>
    %sub3A_458 = arith.subf %add3A_453, %mul3A_457 : vector<1152x128xf32>
    %add3A_459 = arith.constant 3712 : i32
    %add3A_460 = vector.broadcast %add3A_459 : i32 to vector<1152x128xi32>
    %add3A_461 = arith.addi %iota3A, %add3A_460 : vector<1152x128xi32>
    %lt3A_462 = arith.cmpf olt, %sub3A_458, %select_n3A_448 : vector<1152x128xf32>
    %select_n3A_463 = arith.select %lt3A_462, %sub3A_458, %select_n3A_448 : vector<1152x128xi1>, vector<1152x128xf32>
    %select_n3A_464 = arith.select %lt3A_462, %add3A_461, %select_n3A_449 : vector<1152x128xi1>, vector<1152x128xi32>
    %slice3A_465 = vector.extract_strided_slice %get3A_17 {offsets = [0, 3840], sizes = [1, 128], strides = [1, 1]} : vector<1x8192xf32> to vector<1x128xf32>
    %add3A_466 = vector.broadcast %broadcast_in_dim3A : vector<1152x1xf32> to vector<1152x128xf32>
    %add3A_467 = vector.broadcast %slice3A_465 : vector<1x128xf32> to vector<1152x128xf32>
    %add3A_468 = arith.addf %add3A_466, %add3A_467 : vector<1152x128xf32>
    %slice3A_469 = vector.extract_strided_slice %dot_general3A_254 {offsets = [0, 1792], sizes = [1152, 128], strides = [1, 1]} : vector<1152x2048xf32> to vector<1152x128xf32>
    %mul3A_470 = arith.constant 2.000000e+00 : f32
    %mul3A_471 = vector.broadcast %mul3A_470 : f32 to vector<1152x128xf32>
    %mul3A_472 = arith.mulf %mul3A_471, %slice3A_469 : vector<1152x128xf32>
    %sub3A_473 = arith.subf %add3A_468, %mul3A_472 : vector<1152x128xf32>
    %add3A_474 = arith.constant 3840 : i32
    %add3A_475 = vector.broadcast %add3A_474 : i32 to vector<1152x128xi32>
    %add3A_476 = arith.addi %iota3A, %add3A_475 : vector<1152x128xi32>
    %lt3A_477 = arith.cmpf olt, %sub3A_473, %select_n3A_463 : vector<1152x128xf32>
    %select_n3A_478 = arith.select %lt3A_477, %sub3A_473, %select_n3A_463 : vector<1152x128xi1>, vector<1152x128xf32>
    %select_n3A_479 = arith.select %lt3A_477, %add3A_476, %select_n3A_464 : vector<1152x128xi1>, vector<1152x128xi32>
    %slice3A_480 = vector.extract_strided_slice %get3A_17 {offsets = [0, 3968], sizes = [1, 128], strides = [1, 1]} : vector<1x8192xf32> to vector<1x128xf32>
    %add3A_481 = vector.broadcast %broadcast_in_dim3A : vector<1152x1xf32> to vector<1152x128xf32>
    %add3A_482 = vector.broadcast %slice3A_480 : vector<1x128xf32> to vector<1152x128xf32>
    %add3A_483 = arith.addf %add3A_481, %add3A_482 : vector<1152x128xf32>
    %slice3A_484 = vector.extract_strided_slice %dot_general3A_254 {offsets = [0, 1920], sizes = [1152, 128], strides = [1, 1]} : vector<1152x2048xf32> to vector<1152x128xf32>
    %mul3A_485 = arith.constant 2.000000e+00 : f32
    %mul3A_486 = vector.broadcast %mul3A_485 : f32 to vector<1152x128xf32>
    %mul3A_487 = arith.mulf %mul3A_486, %slice3A_484 : vector<1152x128xf32>
    %sub3A_488 = arith.subf %add3A_483, %mul3A_487 : vector<1152x128xf32>
    %add3A_489 = arith.constant 3968 : i32
    %add3A_490 = vector.broadcast %add3A_489 : i32 to vector<1152x128xi32>
    %add3A_491 = arith.addi %iota3A, %add3A_490 : vector<1152x128xi32>
    %lt3A_492 = arith.cmpf olt, %sub3A_488, %select_n3A_478 : vector<1152x128xf32>
    %select_n3A_493 = arith.select %lt3A_492, %sub3A_488, %select_n3A_478 : vector<1152x128xi1>, vector<1152x128xf32>
    %select_n3A_494 = arith.select %lt3A_492, %add3A_491, %select_n3A_479 : vector<1152x128xi1>, vector<1152x128xi32>
    %slice3A_495 = vector.extract_strided_slice %convert_element_type3A_14 {offsets = [4096, 0], sizes = [2048, 32], strides = [1, 1]} : vector<8192x32xbf16> to vector<2048x32xbf16>
    %dot_general3A_496 = arith.constant dense<0.000000e+00> : vector<1152x2048xf32>
    %dot_general3A_497 = tpu.matmul %convert_element_type3A_13, %slice3A_495, %dot_general3A_496 {dimension_numbers = #tpu.dot_dimension_numbers<[1], [1], [0], [0], [0, 0, 1, 0], [], []>, transpose_lhs_hint = false} : vector<1152x32xbf16>, vector<2048x32xbf16>, vector<1152x2048xf32> -> vector<1152x2048xf32>
    %slice3A_498 = vector.extract_strided_slice %get3A_17 {offsets = [0, 4096], sizes = [1, 128], strides = [1, 1]} : vector<1x8192xf32> to vector<1x128xf32>
    %add3A_499 = vector.broadcast %broadcast_in_dim3A : vector<1152x1xf32> to vector<1152x128xf32>
    %add3A_500 = vector.broadcast %slice3A_498 : vector<1x128xf32> to vector<1152x128xf32>
    %add3A_501 = arith.addf %add3A_499, %add3A_500 : vector<1152x128xf32>
    %slice3A_502 = vector.extract_strided_slice %dot_general3A_497 {offsets = [0, 0], sizes = [1152, 128], strides = [1, 1]} : vector<1152x2048xf32> to vector<1152x128xf32>
    %mul3A_503 = arith.constant 2.000000e+00 : f32
    %mul3A_504 = vector.broadcast %mul3A_503 : f32 to vector<1152x128xf32>
    %mul3A_505 = arith.mulf %mul3A_504, %slice3A_502 : vector<1152x128xf32>
    %sub3A_506 = arith.subf %add3A_501, %mul3A_505 : vector<1152x128xf32>
    %add3A_507 = arith.constant 4096 : i32
    %add3A_508 = vector.broadcast %add3A_507 : i32 to vector<1152x128xi32>
    %add3A_509 = arith.addi %iota3A, %add3A_508 : vector<1152x128xi32>
    %lt3A_510 = arith.cmpf olt, %sub3A_506, %select_n3A_493 : vector<1152x128xf32>
    %select_n3A_511 = arith.select %lt3A_510, %sub3A_506, %select_n3A_493 : vector<1152x128xi1>, vector<1152x128xf32>
    %select_n3A_512 = arith.select %lt3A_510, %add3A_509, %select_n3A_494 : vector<1152x128xi1>, vector<1152x128xi32>
    %slice3A_513 = vector.extract_strided_slice %get3A_17 {offsets = [0, 4224], sizes = [1, 128], strides = [1, 1]} : vector<1x8192xf32> to vector<1x128xf32>
    %add3A_514 = vector.broadcast %broadcast_in_dim3A : vector<1152x1xf32> to vector<1152x128xf32>
    %add3A_515 = vector.broadcast %slice3A_513 : vector<1x128xf32> to vector<1152x128xf32>
    %add3A_516 = arith.addf %add3A_514, %add3A_515 : vector<1152x128xf32>
    %slice3A_517 = vector.extract_strided_slice %dot_general3A_497 {offsets = [0, 128], sizes = [1152, 128], strides = [1, 1]} : vector<1152x2048xf32> to vector<1152x128xf32>
    %mul3A_518 = arith.constant 2.000000e+00 : f32
    %mul3A_519 = vector.broadcast %mul3A_518 : f32 to vector<1152x128xf32>
    %mul3A_520 = arith.mulf %mul3A_519, %slice3A_517 : vector<1152x128xf32>
    %sub3A_521 = arith.subf %add3A_516, %mul3A_520 : vector<1152x128xf32>
    %add3A_522 = arith.constant 4224 : i32
    %add3A_523 = vector.broadcast %add3A_522 : i32 to vector<1152x128xi32>
    %add3A_524 = arith.addi %iota3A, %add3A_523 : vector<1152x128xi32>
    %lt3A_525 = arith.cmpf olt, %sub3A_521, %select_n3A_511 : vector<1152x128xf32>
    %select_n3A_526 = arith.select %lt3A_525, %sub3A_521, %select_n3A_511 : vector<1152x128xi1>, vector<1152x128xf32>
    %select_n3A_527 = arith.select %lt3A_525, %add3A_524, %select_n3A_512 : vector<1152x128xi1>, vector<1152x128xi32>
    %slice3A_528 = vector.extract_strided_slice %get3A_17 {offsets = [0, 4352], sizes = [1, 128], strides = [1, 1]} : vector<1x8192xf32> to vector<1x128xf32>
    %add3A_529 = vector.broadcast %broadcast_in_dim3A : vector<1152x1xf32> to vector<1152x128xf32>
    %add3A_530 = vector.broadcast %slice3A_528 : vector<1x128xf32> to vector<1152x128xf32>
    %add3A_531 = arith.addf %add3A_529, %add3A_530 : vector<1152x128xf32>
    %slice3A_532 = vector.extract_strided_slice %dot_general3A_497 {offsets = [0, 256], sizes = [1152, 128], strides = [1, 1]} : vector<1152x2048xf32> to vector<1152x128xf32>
    %mul3A_533 = arith.constant 2.000000e+00 : f32
    %mul3A_534 = vector.broadcast %mul3A_533 : f32 to vector<1152x128xf32>
    %mul3A_535 = arith.mulf %mul3A_534, %slice3A_532 : vector<1152x128xf32>
    %sub3A_536 = arith.subf %add3A_531, %mul3A_535 : vector<1152x128xf32>
    %add3A_537 = arith.constant 4352 : i32
    %add3A_538 = vector.broadcast %add3A_537 : i32 to vector<1152x128xi32>
    %add3A_539 = arith.addi %iota3A, %add3A_538 : vector<1152x128xi32>
    %lt3A_540 = arith.cmpf olt, %sub3A_536, %select_n3A_526 : vector<1152x128xf32>
    %select_n3A_541 = arith.select %lt3A_540, %sub3A_536, %select_n3A_526 : vector<1152x128xi1>, vector<1152x128xf32>
    %select_n3A_542 = arith.select %lt3A_540, %add3A_539, %select_n3A_527 : vector<1152x128xi1>, vector<1152x128xi32>
    %slice3A_543 = vector.extract_strided_slice %get3A_17 {offsets = [0, 4480], sizes = [1, 128], strides = [1, 1]} : vector<1x8192xf32> to vector<1x128xf32>
    %add3A_544 = vector.broadcast %broadcast_in_dim3A : vector<1152x1xf32> to vector<1152x128xf32>
    %add3A_545 = vector.broadcast %slice3A_543 : vector<1x128xf32> to vector<1152x128xf32>
    %add3A_546 = arith.addf %add3A_544, %add3A_545 : vector<1152x128xf32>
    %slice3A_547 = vector.extract_strided_slice %dot_general3A_497 {offsets = [0, 384], sizes = [1152, 128], strides = [1, 1]} : vector<1152x2048xf32> to vector<1152x128xf32>
    %mul3A_548 = arith.constant 2.000000e+00 : f32
    %mul3A_549 = vector.broadcast %mul3A_548 : f32 to vector<1152x128xf32>
    %mul3A_550 = arith.mulf %mul3A_549, %slice3A_547 : vector<1152x128xf32>
    %sub3A_551 = arith.subf %add3A_546, %mul3A_550 : vector<1152x128xf32>
    %add3A_552 = arith.constant 4480 : i32
    %add3A_553 = vector.broadcast %add3A_552 : i32 to vector<1152x128xi32>
    %add3A_554 = arith.addi %iota3A, %add3A_553 : vector<1152x128xi32>
    %lt3A_555 = arith.cmpf olt, %sub3A_551, %select_n3A_541 : vector<1152x128xf32>
    %select_n3A_556 = arith.select %lt3A_555, %sub3A_551, %select_n3A_541 : vector<1152x128xi1>, vector<1152x128xf32>
    %select_n3A_557 = arith.select %lt3A_555, %add3A_554, %select_n3A_542 : vector<1152x128xi1>, vector<1152x128xi32>
    %slice3A_558 = vector.extract_strided_slice %get3A_17 {offsets = [0, 4608], sizes = [1, 128], strides = [1, 1]} : vector<1x8192xf32> to vector<1x128xf32>
    %add3A_559 = vector.broadcast %broadcast_in_dim3A : vector<1152x1xf32> to vector<1152x128xf32>
    %add3A_560 = vector.broadcast %slice3A_558 : vector<1x128xf32> to vector<1152x128xf32>
    %add3A_561 = arith.addf %add3A_559, %add3A_560 : vector<1152x128xf32>
    %slice3A_562 = vector.extract_strided_slice %dot_general3A_497 {offsets = [0, 512], sizes = [1152, 128], strides = [1, 1]} : vector<1152x2048xf32> to vector<1152x128xf32>
    %mul3A_563 = arith.constant 2.000000e+00 : f32
    %mul3A_564 = vector.broadcast %mul3A_563 : f32 to vector<1152x128xf32>
    %mul3A_565 = arith.mulf %mul3A_564, %slice3A_562 : vector<1152x128xf32>
    %sub3A_566 = arith.subf %add3A_561, %mul3A_565 : vector<1152x128xf32>
    %add3A_567 = arith.constant 4608 : i32
    %add3A_568 = vector.broadcast %add3A_567 : i32 to vector<1152x128xi32>
    %add3A_569 = arith.addi %iota3A, %add3A_568 : vector<1152x128xi32>
    %lt3A_570 = arith.cmpf olt, %sub3A_566, %select_n3A_556 : vector<1152x128xf32>
    %select_n3A_571 = arith.select %lt3A_570, %sub3A_566, %select_n3A_556 : vector<1152x128xi1>, vector<1152x128xf32>
    %select_n3A_572 = arith.select %lt3A_570, %add3A_569, %select_n3A_557 : vector<1152x128xi1>, vector<1152x128xi32>
    %slice3A_573 = vector.extract_strided_slice %get3A_17 {offsets = [0, 4736], sizes = [1, 128], strides = [1, 1]} : vector<1x8192xf32> to vector<1x128xf32>
    %add3A_574 = vector.broadcast %broadcast_in_dim3A : vector<1152x1xf32> to vector<1152x128xf32>
    %add3A_575 = vector.broadcast %slice3A_573 : vector<1x128xf32> to vector<1152x128xf32>
    %add3A_576 = arith.addf %add3A_574, %add3A_575 : vector<1152x128xf32>
    %slice3A_577 = vector.extract_strided_slice %dot_general3A_497 {offsets = [0, 640], sizes = [1152, 128], strides = [1, 1]} : vector<1152x2048xf32> to vector<1152x128xf32>
    %mul3A_578 = arith.constant 2.000000e+00 : f32
    %mul3A_579 = vector.broadcast %mul3A_578 : f32 to vector<1152x128xf32>
    %mul3A_580 = arith.mulf %mul3A_579, %slice3A_577 : vector<1152x128xf32>
    %sub3A_581 = arith.subf %add3A_576, %mul3A_580 : vector<1152x128xf32>
    %add3A_582 = arith.constant 4736 : i32
    %add3A_583 = vector.broadcast %add3A_582 : i32 to vector<1152x128xi32>
    %add3A_584 = arith.addi %iota3A, %add3A_583 : vector<1152x128xi32>
    %lt3A_585 = arith.cmpf olt, %sub3A_581, %select_n3A_571 : vector<1152x128xf32>
    %select_n3A_586 = arith.select %lt3A_585, %sub3A_581, %select_n3A_571 : vector<1152x128xi1>, vector<1152x128xf32>
    %select_n3A_587 = arith.select %lt3A_585, %add3A_584, %select_n3A_572 : vector<1152x128xi1>, vector<1152x128xi32>
    %slice3A_588 = vector.extract_strided_slice %get3A_17 {offsets = [0, 4864], sizes = [1, 128], strides = [1, 1]} : vector<1x8192xf32> to vector<1x128xf32>
    %add3A_589 = vector.broadcast %broadcast_in_dim3A : vector<1152x1xf32> to vector<1152x128xf32>
    %add3A_590 = vector.broadcast %slice3A_588 : vector<1x128xf32> to vector<1152x128xf32>
    %add3A_591 = arith.addf %add3A_589, %add3A_590 : vector<1152x128xf32>
    %slice3A_592 = vector.extract_strided_slice %dot_general3A_497 {offsets = [0, 768], sizes = [1152, 128], strides = [1, 1]} : vector<1152x2048xf32> to vector<1152x128xf32>
    %mul3A_593 = arith.constant 2.000000e+00 : f32
    %mul3A_594 = vector.broadcast %mul3A_593 : f32 to vector<1152x128xf32>
    %mul3A_595 = arith.mulf %mul3A_594, %slice3A_592 : vector<1152x128xf32>
    %sub3A_596 = arith.subf %add3A_591, %mul3A_595 : vector<1152x128xf32>
    %add3A_597 = arith.constant 4864 : i32
    %add3A_598 = vector.broadcast %add3A_597 : i32 to vector<1152x128xi32>
    %add3A_599 = arith.addi %iota3A, %add3A_598 : vector<1152x128xi32>
    %lt3A_600 = arith.cmpf olt, %sub3A_596, %select_n3A_586 : vector<1152x128xf32>
    %select_n3A_601 = arith.select %lt3A_600, %sub3A_596, %select_n3A_586 : vector<1152x128xi1>, vector<1152x128xf32>
    %select_n3A_602 = arith.select %lt3A_600, %add3A_599, %select_n3A_587 : vector<1152x128xi1>, vector<1152x128xi32>
    %slice3A_603 = vector.extract_strided_slice %get3A_17 {offsets = [0, 4992], sizes = [1, 128], strides = [1, 1]} : vector<1x8192xf32> to vector<1x128xf32>
    %add3A_604 = vector.broadcast %broadcast_in_dim3A : vector<1152x1xf32> to vector<1152x128xf32>
    %add3A_605 = vector.broadcast %slice3A_603 : vector<1x128xf32> to vector<1152x128xf32>
    %add3A_606 = arith.addf %add3A_604, %add3A_605 : vector<1152x128xf32>
    %slice3A_607 = vector.extract_strided_slice %dot_general3A_497 {offsets = [0, 896], sizes = [1152, 128], strides = [1, 1]} : vector<1152x2048xf32> to vector<1152x128xf32>
    %mul3A_608 = arith.constant 2.000000e+00 : f32
    %mul3A_609 = vector.broadcast %mul3A_608 : f32 to vector<1152x128xf32>
    %mul3A_610 = arith.mulf %mul3A_609, %slice3A_607 : vector<1152x128xf32>
    %sub3A_611 = arith.subf %add3A_606, %mul3A_610 : vector<1152x128xf32>
    %add3A_612 = arith.constant 4992 : i32
    %add3A_613 = vector.broadcast %add3A_612 : i32 to vector<1152x128xi32>
    %add3A_614 = arith.addi %iota3A, %add3A_613 : vector<1152x128xi32>
    %lt3A_615 = arith.cmpf olt, %sub3A_611, %select_n3A_601 : vector<1152x128xf32>
    %select_n3A_616 = arith.select %lt3A_615, %sub3A_611, %select_n3A_601 : vector<1152x128xi1>, vector<1152x128xf32>
    %select_n3A_617 = arith.select %lt3A_615, %add3A_614, %select_n3A_602 : vector<1152x128xi1>, vector<1152x128xi32>
    %slice3A_618 = vector.extract_strided_slice %get3A_17 {offsets = [0, 5120], sizes = [1, 128], strides = [1, 1]} : vector<1x8192xf32> to vector<1x128xf32>
    %add3A_619 = vector.broadcast %broadcast_in_dim3A : vector<1152x1xf32> to vector<1152x128xf32>
    %add3A_620 = vector.broadcast %slice3A_618 : vector<1x128xf32> to vector<1152x128xf32>
    %add3A_621 = arith.addf %add3A_619, %add3A_620 : vector<1152x128xf32>
    %slice3A_622 = vector.extract_strided_slice %dot_general3A_497 {offsets = [0, 1024], sizes = [1152, 128], strides = [1, 1]} : vector<1152x2048xf32> to vector<1152x128xf32>
    %mul3A_623 = arith.constant 2.000000e+00 : f32
    %mul3A_624 = vector.broadcast %mul3A_623 : f32 to vector<1152x128xf32>
    %mul3A_625 = arith.mulf %mul3A_624, %slice3A_622 : vector<1152x128xf32>
    %sub3A_626 = arith.subf %add3A_621, %mul3A_625 : vector<1152x128xf32>
    %add3A_627 = arith.constant 5120 : i32
    %add3A_628 = vector.broadcast %add3A_627 : i32 to vector<1152x128xi32>
    %add3A_629 = arith.addi %iota3A, %add3A_628 : vector<1152x128xi32>
    %lt3A_630 = arith.cmpf olt, %sub3A_626, %select_n3A_616 : vector<1152x128xf32>
    %select_n3A_631 = arith.select %lt3A_630, %sub3A_626, %select_n3A_616 : vector<1152x128xi1>, vector<1152x128xf32>
    %select_n3A_632 = arith.select %lt3A_630, %add3A_629, %select_n3A_617 : vector<1152x128xi1>, vector<1152x128xi32>
    %slice3A_633 = vector.extract_strided_slice %get3A_17 {offsets = [0, 5248], sizes = [1, 128], strides = [1, 1]} : vector<1x8192xf32> to vector<1x128xf32>
    %add3A_634 = vector.broadcast %broadcast_in_dim3A : vector<1152x1xf32> to vector<1152x128xf32>
    %add3A_635 = vector.broadcast %slice3A_633 : vector<1x128xf32> to vector<1152x128xf32>
    %add3A_636 = arith.addf %add3A_634, %add3A_635 : vector<1152x128xf32>
    %slice3A_637 = vector.extract_strided_slice %dot_general3A_497 {offsets = [0, 1152], sizes = [1152, 128], strides = [1, 1]} : vector<1152x2048xf32> to vector<1152x128xf32>
    %mul3A_638 = arith.constant 2.000000e+00 : f32
    %mul3A_639 = vector.broadcast %mul3A_638 : f32 to vector<1152x128xf32>
    %mul3A_640 = arith.mulf %mul3A_639, %slice3A_637 : vector<1152x128xf32>
    %sub3A_641 = arith.subf %add3A_636, %mul3A_640 : vector<1152x128xf32>
    %add3A_642 = arith.constant 5248 : i32
    %add3A_643 = vector.broadcast %add3A_642 : i32 to vector<1152x128xi32>
    %add3A_644 = arith.addi %iota3A, %add3A_643 : vector<1152x128xi32>
    %lt3A_645 = arith.cmpf olt, %sub3A_641, %select_n3A_631 : vector<1152x128xf32>
    %select_n3A_646 = arith.select %lt3A_645, %sub3A_641, %select_n3A_631 : vector<1152x128xi1>, vector<1152x128xf32>
    %select_n3A_647 = arith.select %lt3A_645, %add3A_644, %select_n3A_632 : vector<1152x128xi1>, vector<1152x128xi32>
    %slice3A_648 = vector.extract_strided_slice %get3A_17 {offsets = [0, 5376], sizes = [1, 128], strides = [1, 1]} : vector<1x8192xf32> to vector<1x128xf32>
    %add3A_649 = vector.broadcast %broadcast_in_dim3A : vector<1152x1xf32> to vector<1152x128xf32>
    %add3A_650 = vector.broadcast %slice3A_648 : vector<1x128xf32> to vector<1152x128xf32>
    %add3A_651 = arith.addf %add3A_649, %add3A_650 : vector<1152x128xf32>
    %slice3A_652 = vector.extract_strided_slice %dot_general3A_497 {offsets = [0, 1280], sizes = [1152, 128], strides = [1, 1]} : vector<1152x2048xf32> to vector<1152x128xf32>
    %mul3A_653 = arith.constant 2.000000e+00 : f32
    %mul3A_654 = vector.broadcast %mul3A_653 : f32 to vector<1152x128xf32>
    %mul3A_655 = arith.mulf %mul3A_654, %slice3A_652 : vector<1152x128xf32>
    %sub3A_656 = arith.subf %add3A_651, %mul3A_655 : vector<1152x128xf32>
    %add3A_657 = arith.constant 5376 : i32
    %add3A_658 = vector.broadcast %add3A_657 : i32 to vector<1152x128xi32>
    %add3A_659 = arith.addi %iota3A, %add3A_658 : vector<1152x128xi32>
    %lt3A_660 = arith.cmpf olt, %sub3A_656, %select_n3A_646 : vector<1152x128xf32>
    %select_n3A_661 = arith.select %lt3A_660, %sub3A_656, %select_n3A_646 : vector<1152x128xi1>, vector<1152x128xf32>
    %select_n3A_662 = arith.select %lt3A_660, %add3A_659, %select_n3A_647 : vector<1152x128xi1>, vector<1152x128xi32>
    %slice3A_663 = vector.extract_strided_slice %get3A_17 {offsets = [0, 5504], sizes = [1, 128], strides = [1, 1]} : vector<1x8192xf32> to vector<1x128xf32>
    %add3A_664 = vector.broadcast %broadcast_in_dim3A : vector<1152x1xf32> to vector<1152x128xf32>
    %add3A_665 = vector.broadcast %slice3A_663 : vector<1x128xf32> to vector<1152x128xf32>
    %add3A_666 = arith.addf %add3A_664, %add3A_665 : vector<1152x128xf32>
    %slice3A_667 = vector.extract_strided_slice %dot_general3A_497 {offsets = [0, 1408], sizes = [1152, 128], strides = [1, 1]} : vector<1152x2048xf32> to vector<1152x128xf32>
    %mul3A_668 = arith.constant 2.000000e+00 : f32
    %mul3A_669 = vector.broadcast %mul3A_668 : f32 to vector<1152x128xf32>
    %mul3A_670 = arith.mulf %mul3A_669, %slice3A_667 : vector<1152x128xf32>
    %sub3A_671 = arith.subf %add3A_666, %mul3A_670 : vector<1152x128xf32>
    %add3A_672 = arith.constant 5504 : i32
    %add3A_673 = vector.broadcast %add3A_672 : i32 to vector<1152x128xi32>
    %add3A_674 = arith.addi %iota3A, %add3A_673 : vector<1152x128xi32>
    %lt3A_675 = arith.cmpf olt, %sub3A_671, %select_n3A_661 : vector<1152x128xf32>
    %select_n3A_676 = arith.select %lt3A_675, %sub3A_671, %select_n3A_661 : vector<1152x128xi1>, vector<1152x128xf32>
    %select_n3A_677 = arith.select %lt3A_675, %add3A_674, %select_n3A_662 : vector<1152x128xi1>, vector<1152x128xi32>
    %slice3A_678 = vector.extract_strided_slice %get3A_17 {offsets = [0, 5632], sizes = [1, 128], strides = [1, 1]} : vector<1x8192xf32> to vector<1x128xf32>
    %add3A_679 = vector.broadcast %broadcast_in_dim3A : vector<1152x1xf32> to vector<1152x128xf32>
    %add3A_680 = vector.broadcast %slice3A_678 : vector<1x128xf32> to vector<1152x128xf32>
    %add3A_681 = arith.addf %add3A_679, %add3A_680 : vector<1152x128xf32>
    %slice3A_682 = vector.extract_strided_slice %dot_general3A_497 {offsets = [0, 1536], sizes = [1152, 128], strides = [1, 1]} : vector<1152x2048xf32> to vector<1152x128xf32>
    %mul3A_683 = arith.constant 2.000000e+00 : f32
    %mul3A_684 = vector.broadcast %mul3A_683 : f32 to vector<1152x128xf32>
    %mul3A_685 = arith.mulf %mul3A_684, %slice3A_682 : vector<1152x128xf32>
    %sub3A_686 = arith.subf %add3A_681, %mul3A_685 : vector<1152x128xf32>
    %add3A_687 = arith.constant 5632 : i32
    %add3A_688 = vector.broadcast %add3A_687 : i32 to vector<1152x128xi32>
    %add3A_689 = arith.addi %iota3A, %add3A_688 : vector<1152x128xi32>
    %lt3A_690 = arith.cmpf olt, %sub3A_686, %select_n3A_676 : vector<1152x128xf32>
    %select_n3A_691 = arith.select %lt3A_690, %sub3A_686, %select_n3A_676 : vector<1152x128xi1>, vector<1152x128xf32>
    %select_n3A_692 = arith.select %lt3A_690, %add3A_689, %select_n3A_677 : vector<1152x128xi1>, vector<1152x128xi32>
    %slice3A_693 = vector.extract_strided_slice %get3A_17 {offsets = [0, 5760], sizes = [1, 128], strides = [1, 1]} : vector<1x8192xf32> to vector<1x128xf32>
    %add3A_694 = vector.broadcast %broadcast_in_dim3A : vector<1152x1xf32> to vector<1152x128xf32>
    %add3A_695 = vector.broadcast %slice3A_693 : vector<1x128xf32> to vector<1152x128xf32>
    %add3A_696 = arith.addf %add3A_694, %add3A_695 : vector<1152x128xf32>
    %slice3A_697 = vector.extract_strided_slice %dot_general3A_497 {offsets = [0, 1664], sizes = [1152, 128], strides = [1, 1]} : vector<1152x2048xf32> to vector<1152x128xf32>
    %mul3A_698 = arith.constant 2.000000e+00 : f32
    %mul3A_699 = vector.broadcast %mul3A_698 : f32 to vector<1152x128xf32>
    %mul3A_700 = arith.mulf %mul3A_699, %slice3A_697 : vector<1152x128xf32>
    %sub3A_701 = arith.subf %add3A_696, %mul3A_700 : vector<1152x128xf32>
    %add3A_702 = arith.constant 5760 : i32
    %add3A_703 = vector.broadcast %add3A_702 : i32 to vector<1152x128xi32>
    %add3A_704 = arith.addi %iota3A, %add3A_703 : vector<1152x128xi32>
    %lt3A_705 = arith.cmpf olt, %sub3A_701, %select_n3A_691 : vector<1152x128xf32>
    %select_n3A_706 = arith.select %lt3A_705, %sub3A_701, %select_n3A_691 : vector<1152x128xi1>, vector<1152x128xf32>
    %select_n3A_707 = arith.select %lt3A_705, %add3A_704, %select_n3A_692 : vector<1152x128xi1>, vector<1152x128xi32>
    %slice3A_708 = vector.extract_strided_slice %get3A_17 {offsets = [0, 5888], sizes = [1, 128], strides = [1, 1]} : vector<1x8192xf32> to vector<1x128xf32>
    %add3A_709 = vector.broadcast %broadcast_in_dim3A : vector<1152x1xf32> to vector<1152x128xf32>
    %add3A_710 = vector.broadcast %slice3A_708 : vector<1x128xf32> to vector<1152x128xf32>
    %add3A_711 = arith.addf %add3A_709, %add3A_710 : vector<1152x128xf32>
    %slice3A_712 = vector.extract_strided_slice %dot_general3A_497 {offsets = [0, 1792], sizes = [1152, 128], strides = [1, 1]} : vector<1152x2048xf32> to vector<1152x128xf32>
    %mul3A_713 = arith.constant 2.000000e+00 : f32
    %mul3A_714 = vector.broadcast %mul3A_713 : f32 to vector<1152x128xf32>
    %mul3A_715 = arith.mulf %mul3A_714, %slice3A_712 : vector<1152x128xf32>
    %sub3A_716 = arith.subf %add3A_711, %mul3A_715 : vector<1152x128xf32>
    %add3A_717 = arith.constant 5888 : i32
    %add3A_718 = vector.broadcast %add3A_717 : i32 to vector<1152x128xi32>
    %add3A_719 = arith.addi %iota3A, %add3A_718 : vector<1152x128xi32>
    %lt3A_720 = arith.cmpf olt, %sub3A_716, %select_n3A_706 : vector<1152x128xf32>
    %select_n3A_721 = arith.select %lt3A_720, %sub3A_716, %select_n3A_706 : vector<1152x128xi1>, vector<1152x128xf32>
    %select_n3A_722 = arith.select %lt3A_720, %add3A_719, %select_n3A_707 : vector<1152x128xi1>, vector<1152x128xi32>
    %slice3A_723 = vector.extract_strided_slice %get3A_17 {offsets = [0, 6016], sizes = [1, 128], strides = [1, 1]} : vector<1x8192xf32> to vector<1x128xf32>
    %add3A_724 = vector.broadcast %broadcast_in_dim3A : vector<1152x1xf32> to vector<1152x128xf32>
    %add3A_725 = vector.broadcast %slice3A_723 : vector<1x128xf32> to vector<1152x128xf32>
    %add3A_726 = arith.addf %add3A_724, %add3A_725 : vector<1152x128xf32>
    %slice3A_727 = vector.extract_strided_slice %dot_general3A_497 {offsets = [0, 1920], sizes = [1152, 128], strides = [1, 1]} : vector<1152x2048xf32> to vector<1152x128xf32>
    %mul3A_728 = arith.constant 2.000000e+00 : f32
    %mul3A_729 = vector.broadcast %mul3A_728 : f32 to vector<1152x128xf32>
    %mul3A_730 = arith.mulf %mul3A_729, %slice3A_727 : vector<1152x128xf32>
    %sub3A_731 = arith.subf %add3A_726, %mul3A_730 : vector<1152x128xf32>
    %add3A_732 = arith.constant 6016 : i32
    %add3A_733 = vector.broadcast %add3A_732 : i32 to vector<1152x128xi32>
    %add3A_734 = arith.addi %iota3A, %add3A_733 : vector<1152x128xi32>
    %lt3A_735 = arith.cmpf olt, %sub3A_731, %select_n3A_721 : vector<1152x128xf32>
    %select_n3A_736 = arith.select %lt3A_735, %sub3A_731, %select_n3A_721 : vector<1152x128xi1>, vector<1152x128xf32>
    %select_n3A_737 = arith.select %lt3A_735, %add3A_734, %select_n3A_722 : vector<1152x128xi1>, vector<1152x128xi32>
    %slice3A_738 = vector.extract_strided_slice %convert_element_type3A_14 {offsets = [6144, 0], sizes = [2048, 32], strides = [1, 1]} : vector<8192x32xbf16> to vector<2048x32xbf16>
    %dot_general3A_739 = arith.constant dense<0.000000e+00> : vector<1152x2048xf32>
    %dot_general3A_740 = tpu.matmul %convert_element_type3A_13, %slice3A_738, %dot_general3A_739 {dimension_numbers = #tpu.dot_dimension_numbers<[1], [1], [0], [0], [0, 0, 1, 0], [], []>, transpose_lhs_hint = false} : vector<1152x32xbf16>, vector<2048x32xbf16>, vector<1152x2048xf32> -> vector<1152x2048xf32>
    %slice3A_741 = vector.extract_strided_slice %get3A_17 {offsets = [0, 6144], sizes = [1, 128], strides = [1, 1]} : vector<1x8192xf32> to vector<1x128xf32>
    %add3A_742 = vector.broadcast %broadcast_in_dim3A : vector<1152x1xf32> to vector<1152x128xf32>
    %add3A_743 = vector.broadcast %slice3A_741 : vector<1x128xf32> to vector<1152x128xf32>
    %add3A_744 = arith.addf %add3A_742, %add3A_743 : vector<1152x128xf32>
    %slice3A_745 = vector.extract_strided_slice %dot_general3A_740 {offsets = [0, 0], sizes = [1152, 128], strides = [1, 1]} : vector<1152x2048xf32> to vector<1152x128xf32>
    %mul3A_746 = arith.constant 2.000000e+00 : f32
    %mul3A_747 = vector.broadcast %mul3A_746 : f32 to vector<1152x128xf32>
    %mul3A_748 = arith.mulf %mul3A_747, %slice3A_745 : vector<1152x128xf32>
    %sub3A_749 = arith.subf %add3A_744, %mul3A_748 : vector<1152x128xf32>
    %add3A_750 = arith.constant 6144 : i32
    %add3A_751 = vector.broadcast %add3A_750 : i32 to vector<1152x128xi32>
    %add3A_752 = arith.addi %iota3A, %add3A_751 : vector<1152x128xi32>
    %lt3A_753 = arith.cmpf olt, %sub3A_749, %select_n3A_736 : vector<1152x128xf32>
    %select_n3A_754 = arith.select %lt3A_753, %sub3A_749, %select_n3A_736 : vector<1152x128xi1>, vector<1152x128xf32>
    %select_n3A_755 = arith.select %lt3A_753, %add3A_752, %select_n3A_737 : vector<1152x128xi1>, vector<1152x128xi32>
    %slice3A_756 = vector.extract_strided_slice %get3A_17 {offsets = [0, 6272], sizes = [1, 128], strides = [1, 1]} : vector<1x8192xf32> to vector<1x128xf32>
    %add3A_757 = vector.broadcast %broadcast_in_dim3A : vector<1152x1xf32> to vector<1152x128xf32>
    %add3A_758 = vector.broadcast %slice3A_756 : vector<1x128xf32> to vector<1152x128xf32>
    %add3A_759 = arith.addf %add3A_757, %add3A_758 : vector<1152x128xf32>
    %slice3A_760 = vector.extract_strided_slice %dot_general3A_740 {offsets = [0, 128], sizes = [1152, 128], strides = [1, 1]} : vector<1152x2048xf32> to vector<1152x128xf32>
    %mul3A_761 = arith.constant 2.000000e+00 : f32
    %mul3A_762 = vector.broadcast %mul3A_761 : f32 to vector<1152x128xf32>
    %mul3A_763 = arith.mulf %mul3A_762, %slice3A_760 : vector<1152x128xf32>
    %sub3A_764 = arith.subf %add3A_759, %mul3A_763 : vector<1152x128xf32>
    %add3A_765 = arith.constant 6272 : i32
    %add3A_766 = vector.broadcast %add3A_765 : i32 to vector<1152x128xi32>
    %add3A_767 = arith.addi %iota3A, %add3A_766 : vector<1152x128xi32>
    %lt3A_768 = arith.cmpf olt, %sub3A_764, %select_n3A_754 : vector<1152x128xf32>
    %select_n3A_769 = arith.select %lt3A_768, %sub3A_764, %select_n3A_754 : vector<1152x128xi1>, vector<1152x128xf32>
    %select_n3A_770 = arith.select %lt3A_768, %add3A_767, %select_n3A_755 : vector<1152x128xi1>, vector<1152x128xi32>
    %slice3A_771 = vector.extract_strided_slice %get3A_17 {offsets = [0, 6400], sizes = [1, 128], strides = [1, 1]} : vector<1x8192xf32> to vector<1x128xf32>
    %add3A_772 = vector.broadcast %broadcast_in_dim3A : vector<1152x1xf32> to vector<1152x128xf32>
    %add3A_773 = vector.broadcast %slice3A_771 : vector<1x128xf32> to vector<1152x128xf32>
    %add3A_774 = arith.addf %add3A_772, %add3A_773 : vector<1152x128xf32>
    %slice3A_775 = vector.extract_strided_slice %dot_general3A_740 {offsets = [0, 256], sizes = [1152, 128], strides = [1, 1]} : vector<1152x2048xf32> to vector<1152x128xf32>
    %mul3A_776 = arith.constant 2.000000e+00 : f32
    %mul3A_777 = vector.broadcast %mul3A_776 : f32 to vector<1152x128xf32>
    %mul3A_778 = arith.mulf %mul3A_777, %slice3A_775 : vector<1152x128xf32>
    %sub3A_779 = arith.subf %add3A_774, %mul3A_778 : vector<1152x128xf32>
    %add3A_780 = arith.constant 6400 : i32
    %add3A_781 = vector.broadcast %add3A_780 : i32 to vector<1152x128xi32>
    %add3A_782 = arith.addi %iota3A, %add3A_781 : vector<1152x128xi32>
    %lt3A_783 = arith.cmpf olt, %sub3A_779, %select_n3A_769 : vector<1152x128xf32>
    %select_n3A_784 = arith.select %lt3A_783, %sub3A_779, %select_n3A_769 : vector<1152x128xi1>, vector<1152x128xf32>
    %select_n3A_785 = arith.select %lt3A_783, %add3A_782, %select_n3A_770 : vector<1152x128xi1>, vector<1152x128xi32>
    %slice3A_786 = vector.extract_strided_slice %get3A_17 {offsets = [0, 6528], sizes = [1, 128], strides = [1, 1]} : vector<1x8192xf32> to vector<1x128xf32>
    %add3A_787 = vector.broadcast %broadcast_in_dim3A : vector<1152x1xf32> to vector<1152x128xf32>
    %add3A_788 = vector.broadcast %slice3A_786 : vector<1x128xf32> to vector<1152x128xf32>
    %add3A_789 = arith.addf %add3A_787, %add3A_788 : vector<1152x128xf32>
    %slice3A_790 = vector.extract_strided_slice %dot_general3A_740 {offsets = [0, 384], sizes = [1152, 128], strides = [1, 1]} : vector<1152x2048xf32> to vector<1152x128xf32>
    %mul3A_791 = arith.constant 2.000000e+00 : f32
    %mul3A_792 = vector.broadcast %mul3A_791 : f32 to vector<1152x128xf32>
    %mul3A_793 = arith.mulf %mul3A_792, %slice3A_790 : vector<1152x128xf32>
    %sub3A_794 = arith.subf %add3A_789, %mul3A_793 : vector<1152x128xf32>
    %add3A_795 = arith.constant 6528 : i32
    %add3A_796 = vector.broadcast %add3A_795 : i32 to vector<1152x128xi32>
    %add3A_797 = arith.addi %iota3A, %add3A_796 : vector<1152x128xi32>
    %lt3A_798 = arith.cmpf olt, %sub3A_794, %select_n3A_784 : vector<1152x128xf32>
    %select_n3A_799 = arith.select %lt3A_798, %sub3A_794, %select_n3A_784 : vector<1152x128xi1>, vector<1152x128xf32>
    %select_n3A_800 = arith.select %lt3A_798, %add3A_797, %select_n3A_785 : vector<1152x128xi1>, vector<1152x128xi32>
    %slice3A_801 = vector.extract_strided_slice %get3A_17 {offsets = [0, 6656], sizes = [1, 128], strides = [1, 1]} : vector<1x8192xf32> to vector<1x128xf32>
    %add3A_802 = vector.broadcast %broadcast_in_dim3A : vector<1152x1xf32> to vector<1152x128xf32>
    %add3A_803 = vector.broadcast %slice3A_801 : vector<1x128xf32> to vector<1152x128xf32>
    %add3A_804 = arith.addf %add3A_802, %add3A_803 : vector<1152x128xf32>
    %slice3A_805 = vector.extract_strided_slice %dot_general3A_740 {offsets = [0, 512], sizes = [1152, 128], strides = [1, 1]} : vector<1152x2048xf32> to vector<1152x128xf32>
    %mul3A_806 = arith.constant 2.000000e+00 : f32
    %mul3A_807 = vector.broadcast %mul3A_806 : f32 to vector<1152x128xf32>
    %mul3A_808 = arith.mulf %mul3A_807, %slice3A_805 : vector<1152x128xf32>
    %sub3A_809 = arith.subf %add3A_804, %mul3A_808 : vector<1152x128xf32>
    %add3A_810 = arith.constant 6656 : i32
    %add3A_811 = vector.broadcast %add3A_810 : i32 to vector<1152x128xi32>
    %add3A_812 = arith.addi %iota3A, %add3A_811 : vector<1152x128xi32>
    %lt3A_813 = arith.cmpf olt, %sub3A_809, %select_n3A_799 : vector<1152x128xf32>
    %select_n3A_814 = arith.select %lt3A_813, %sub3A_809, %select_n3A_799 : vector<1152x128xi1>, vector<1152x128xf32>
    %select_n3A_815 = arith.select %lt3A_813, %add3A_812, %select_n3A_800 : vector<1152x128xi1>, vector<1152x128xi32>
    %slice3A_816 = vector.extract_strided_slice %get3A_17 {offsets = [0, 6784], sizes = [1, 128], strides = [1, 1]} : vector<1x8192xf32> to vector<1x128xf32>
    %add3A_817 = vector.broadcast %broadcast_in_dim3A : vector<1152x1xf32> to vector<1152x128xf32>
    %add3A_818 = vector.broadcast %slice3A_816 : vector<1x128xf32> to vector<1152x128xf32>
    %add3A_819 = arith.addf %add3A_817, %add3A_818 : vector<1152x128xf32>
    %slice3A_820 = vector.extract_strided_slice %dot_general3A_740 {offsets = [0, 640], sizes = [1152, 128], strides = [1, 1]} : vector<1152x2048xf32> to vector<1152x128xf32>
    %mul3A_821 = arith.constant 2.000000e+00 : f32
    %mul3A_822 = vector.broadcast %mul3A_821 : f32 to vector<1152x128xf32>
    %mul3A_823 = arith.mulf %mul3A_822, %slice3A_820 : vector<1152x128xf32>
    %sub3A_824 = arith.subf %add3A_819, %mul3A_823 : vector<1152x128xf32>
    %add3A_825 = arith.constant 6784 : i32
    %add3A_826 = vector.broadcast %add3A_825 : i32 to vector<1152x128xi32>
    %add3A_827 = arith.addi %iota3A, %add3A_826 : vector<1152x128xi32>
    %lt3A_828 = arith.cmpf olt, %sub3A_824, %select_n3A_814 : vector<1152x128xf32>
    %select_n3A_829 = arith.select %lt3A_828, %sub3A_824, %select_n3A_814 : vector<1152x128xi1>, vector<1152x128xf32>
    %select_n3A_830 = arith.select %lt3A_828, %add3A_827, %select_n3A_815 : vector<1152x128xi1>, vector<1152x128xi32>
    %slice3A_831 = vector.extract_strided_slice %get3A_17 {offsets = [0, 6912], sizes = [1, 128], strides = [1, 1]} : vector<1x8192xf32> to vector<1x128xf32>
    %add3A_832 = vector.broadcast %broadcast_in_dim3A : vector<1152x1xf32> to vector<1152x128xf32>
    %add3A_833 = vector.broadcast %slice3A_831 : vector<1x128xf32> to vector<1152x128xf32>
    %add3A_834 = arith.addf %add3A_832, %add3A_833 : vector<1152x128xf32>
    %slice3A_835 = vector.extract_strided_slice %dot_general3A_740 {offsets = [0, 768], sizes = [1152, 128], strides = [1, 1]} : vector<1152x2048xf32> to vector<1152x128xf32>
    %mul3A_836 = arith.constant 2.000000e+00 : f32
    %mul3A_837 = vector.broadcast %mul3A_836 : f32 to vector<1152x128xf32>
    %mul3A_838 = arith.mulf %mul3A_837, %slice3A_835 : vector<1152x128xf32>
    %sub3A_839 = arith.subf %add3A_834, %mul3A_838 : vector<1152x128xf32>
    %add3A_840 = arith.constant 6912 : i32
    %add3A_841 = vector.broadcast %add3A_840 : i32 to vector<1152x128xi32>
    %add3A_842 = arith.addi %iota3A, %add3A_841 : vector<1152x128xi32>
    %lt3A_843 = arith.cmpf olt, %sub3A_839, %select_n3A_829 : vector<1152x128xf32>
    %select_n3A_844 = arith.select %lt3A_843, %sub3A_839, %select_n3A_829 : vector<1152x128xi1>, vector<1152x128xf32>
    %select_n3A_845 = arith.select %lt3A_843, %add3A_842, %select_n3A_830 : vector<1152x128xi1>, vector<1152x128xi32>
    %slice3A_846 = vector.extract_strided_slice %get3A_17 {offsets = [0, 7040], sizes = [1, 128], strides = [1, 1]} : vector<1x8192xf32> to vector<1x128xf32>
    %add3A_847 = vector.broadcast %broadcast_in_dim3A : vector<1152x1xf32> to vector<1152x128xf32>
    %add3A_848 = vector.broadcast %slice3A_846 : vector<1x128xf32> to vector<1152x128xf32>
    %add3A_849 = arith.addf %add3A_847, %add3A_848 : vector<1152x128xf32>
    %slice3A_850 = vector.extract_strided_slice %dot_general3A_740 {offsets = [0, 896], sizes = [1152, 128], strides = [1, 1]} : vector<1152x2048xf32> to vector<1152x128xf32>
    %mul3A_851 = arith.constant 2.000000e+00 : f32
    %mul3A_852 = vector.broadcast %mul3A_851 : f32 to vector<1152x128xf32>
    %mul3A_853 = arith.mulf %mul3A_852, %slice3A_850 : vector<1152x128xf32>
    %sub3A_854 = arith.subf %add3A_849, %mul3A_853 : vector<1152x128xf32>
    %add3A_855 = arith.constant 7040 : i32
    %add3A_856 = vector.broadcast %add3A_855 : i32 to vector<1152x128xi32>
    %add3A_857 = arith.addi %iota3A, %add3A_856 : vector<1152x128xi32>
    %lt3A_858 = arith.cmpf olt, %sub3A_854, %select_n3A_844 : vector<1152x128xf32>
    %select_n3A_859 = arith.select %lt3A_858, %sub3A_854, %select_n3A_844 : vector<1152x128xi1>, vector<1152x128xf32>
    %select_n3A_860 = arith.select %lt3A_858, %add3A_857, %select_n3A_845 : vector<1152x128xi1>, vector<1152x128xi32>
    %slice3A_861 = vector.extract_strided_slice %get3A_17 {offsets = [0, 7168], sizes = [1, 128], strides = [1, 1]} : vector<1x8192xf32> to vector<1x128xf32>
    %add3A_862 = vector.broadcast %broadcast_in_dim3A : vector<1152x1xf32> to vector<1152x128xf32>
    %add3A_863 = vector.broadcast %slice3A_861 : vector<1x128xf32> to vector<1152x128xf32>
    %add3A_864 = arith.addf %add3A_862, %add3A_863 : vector<1152x128xf32>
    %slice3A_865 = vector.extract_strided_slice %dot_general3A_740 {offsets = [0, 1024], sizes = [1152, 128], strides = [1, 1]} : vector<1152x2048xf32> to vector<1152x128xf32>
    %mul3A_866 = arith.constant 2.000000e+00 : f32
    %mul3A_867 = vector.broadcast %mul3A_866 : f32 to vector<1152x128xf32>
    %mul3A_868 = arith.mulf %mul3A_867, %slice3A_865 : vector<1152x128xf32>
    %sub3A_869 = arith.subf %add3A_864, %mul3A_868 : vector<1152x128xf32>
    %add3A_870 = arith.constant 7168 : i32
    %add3A_871 = vector.broadcast %add3A_870 : i32 to vector<1152x128xi32>
    %add3A_872 = arith.addi %iota3A, %add3A_871 : vector<1152x128xi32>
    %lt3A_873 = arith.cmpf olt, %sub3A_869, %select_n3A_859 : vector<1152x128xf32>
    %select_n3A_874 = arith.select %lt3A_873, %sub3A_869, %select_n3A_859 : vector<1152x128xi1>, vector<1152x128xf32>
    %select_n3A_875 = arith.select %lt3A_873, %add3A_872, %select_n3A_860 : vector<1152x128xi1>, vector<1152x128xi32>
    %slice3A_876 = vector.extract_strided_slice %get3A_17 {offsets = [0, 7296], sizes = [1, 128], strides = [1, 1]} : vector<1x8192xf32> to vector<1x128xf32>
    %add3A_877 = vector.broadcast %broadcast_in_dim3A : vector<1152x1xf32> to vector<1152x128xf32>
    %add3A_878 = vector.broadcast %slice3A_876 : vector<1x128xf32> to vector<1152x128xf32>
    %add3A_879 = arith.addf %add3A_877, %add3A_878 : vector<1152x128xf32>
    %slice3A_880 = vector.extract_strided_slice %dot_general3A_740 {offsets = [0, 1152], sizes = [1152, 128], strides = [1, 1]} : vector<1152x2048xf32> to vector<1152x128xf32>
    %mul3A_881 = arith.constant 2.000000e+00 : f32
    %mul3A_882 = vector.broadcast %mul3A_881 : f32 to vector<1152x128xf32>
    %mul3A_883 = arith.mulf %mul3A_882, %slice3A_880 : vector<1152x128xf32>
    %sub3A_884 = arith.subf %add3A_879, %mul3A_883 : vector<1152x128xf32>
    %add3A_885 = arith.constant 7296 : i32
    %add3A_886 = vector.broadcast %add3A_885 : i32 to vector<1152x128xi32>
    %add3A_887 = arith.addi %iota3A, %add3A_886 : vector<1152x128xi32>
    %lt3A_888 = arith.cmpf olt, %sub3A_884, %select_n3A_874 : vector<1152x128xf32>
    %select_n3A_889 = arith.select %lt3A_888, %sub3A_884, %select_n3A_874 : vector<1152x128xi1>, vector<1152x128xf32>
    %select_n3A_890 = arith.select %lt3A_888, %add3A_887, %select_n3A_875 : vector<1152x128xi1>, vector<1152x128xi32>
    %slice3A_891 = vector.extract_strided_slice %get3A_17 {offsets = [0, 7424], sizes = [1, 128], strides = [1, 1]} : vector<1x8192xf32> to vector<1x128xf32>
    %add3A_892 = vector.broadcast %broadcast_in_dim3A : vector<1152x1xf32> to vector<1152x128xf32>
    %add3A_893 = vector.broadcast %slice3A_891 : vector<1x128xf32> to vector<1152x128xf32>
    %add3A_894 = arith.addf %add3A_892, %add3A_893 : vector<1152x128xf32>
    %slice3A_895 = vector.extract_strided_slice %dot_general3A_740 {offsets = [0, 1280], sizes = [1152, 128], strides = [1, 1]} : vector<1152x2048xf32> to vector<1152x128xf32>
    %mul3A_896 = arith.constant 2.000000e+00 : f32
    %mul3A_897 = vector.broadcast %mul3A_896 : f32 to vector<1152x128xf32>
    %mul3A_898 = arith.mulf %mul3A_897, %slice3A_895 : vector<1152x128xf32>
    %sub3A_899 = arith.subf %add3A_894, %mul3A_898 : vector<1152x128xf32>
    %add3A_900 = arith.constant 7424 : i32
    %add3A_901 = vector.broadcast %add3A_900 : i32 to vector<1152x128xi32>
    %add3A_902 = arith.addi %iota3A, %add3A_901 : vector<1152x128xi32>
    %lt3A_903 = arith.cmpf olt, %sub3A_899, %select_n3A_889 : vector<1152x128xf32>
    %select_n3A_904 = arith.select %lt3A_903, %sub3A_899, %select_n3A_889 : vector<1152x128xi1>, vector<1152x128xf32>
    %select_n3A_905 = arith.select %lt3A_903, %add3A_902, %select_n3A_890 : vector<1152x128xi1>, vector<1152x128xi32>
    %slice3A_906 = vector.extract_strided_slice %get3A_17 {offsets = [0, 7552], sizes = [1, 128], strides = [1, 1]} : vector<1x8192xf32> to vector<1x128xf32>
    %add3A_907 = vector.broadcast %broadcast_in_dim3A : vector<1152x1xf32> to vector<1152x128xf32>
    %add3A_908 = vector.broadcast %slice3A_906 : vector<1x128xf32> to vector<1152x128xf32>
    %add3A_909 = arith.addf %add3A_907, %add3A_908 : vector<1152x128xf32>
    %slice3A_910 = vector.extract_strided_slice %dot_general3A_740 {offsets = [0, 1408], sizes = [1152, 128], strides = [1, 1]} : vector<1152x2048xf32> to vector<1152x128xf32>
    %mul3A_911 = arith.constant 2.000000e+00 : f32
    %mul3A_912 = vector.broadcast %mul3A_911 : f32 to vector<1152x128xf32>
    %mul3A_913 = arith.mulf %mul3A_912, %slice3A_910 : vector<1152x128xf32>
    %sub3A_914 = arith.subf %add3A_909, %mul3A_913 : vector<1152x128xf32>
    %add3A_915 = arith.constant 7552 : i32
    %add3A_916 = vector.broadcast %add3A_915 : i32 to vector<1152x128xi32>
    %add3A_917 = arith.addi %iota3A, %add3A_916 : vector<1152x128xi32>
    %lt3A_918 = arith.cmpf olt, %sub3A_914, %select_n3A_904 : vector<1152x128xf32>
    %select_n3A_919 = arith.select %lt3A_918, %sub3A_914, %select_n3A_904 : vector<1152x128xi1>, vector<1152x128xf32>
    %select_n3A_920 = arith.select %lt3A_918, %add3A_917, %select_n3A_905 : vector<1152x128xi1>, vector<1152x128xi32>
    %slice3A_921 = vector.extract_strided_slice %get3A_17 {offsets = [0, 7680], sizes = [1, 128], strides = [1, 1]} : vector<1x8192xf32> to vector<1x128xf32>
    %add3A_922 = vector.broadcast %broadcast_in_dim3A : vector<1152x1xf32> to vector<1152x128xf32>
    %add3A_923 = vector.broadcast %slice3A_921 : vector<1x128xf32> to vector<1152x128xf32>
    %add3A_924 = arith.addf %add3A_922, %add3A_923 : vector<1152x128xf32>
    %slice3A_925 = vector.extract_strided_slice %dot_general3A_740 {offsets = [0, 1536], sizes = [1152, 128], strides = [1, 1]} : vector<1152x2048xf32> to vector<1152x128xf32>
    %mul3A_926 = arith.constant 2.000000e+00 : f32
    %mul3A_927 = vector.broadcast %mul3A_926 : f32 to vector<1152x128xf32>
    %mul3A_928 = arith.mulf %mul3A_927, %slice3A_925 : vector<1152x128xf32>
    %sub3A_929 = arith.subf %add3A_924, %mul3A_928 : vector<1152x128xf32>
    %add3A_930 = arith.constant 7680 : i32
    %add3A_931 = vector.broadcast %add3A_930 : i32 to vector<1152x128xi32>
    %add3A_932 = arith.addi %iota3A, %add3A_931 : vector<1152x128xi32>
    %lt3A_933 = arith.cmpf olt, %sub3A_929, %select_n3A_919 : vector<1152x128xf32>
    %select_n3A_934 = arith.select %lt3A_933, %sub3A_929, %select_n3A_919 : vector<1152x128xi1>, vector<1152x128xf32>
    %select_n3A_935 = arith.select %lt3A_933, %add3A_932, %select_n3A_920 : vector<1152x128xi1>, vector<1152x128xi32>
    %slice3A_936 = vector.extract_strided_slice %get3A_17 {offsets = [0, 7808], sizes = [1, 128], strides = [1, 1]} : vector<1x8192xf32> to vector<1x128xf32>
    %add3A_937 = vector.broadcast %broadcast_in_dim3A : vector<1152x1xf32> to vector<1152x128xf32>
    %add3A_938 = vector.broadcast %slice3A_936 : vector<1x128xf32> to vector<1152x128xf32>
    %add3A_939 = arith.addf %add3A_937, %add3A_938 : vector<1152x128xf32>
    %slice3A_940 = vector.extract_strided_slice %dot_general3A_740 {offsets = [0, 1664], sizes = [1152, 128], strides = [1, 1]} : vector<1152x2048xf32> to vector<1152x128xf32>
    %mul3A_941 = arith.constant 2.000000e+00 : f32
    %mul3A_942 = vector.broadcast %mul3A_941 : f32 to vector<1152x128xf32>
    %mul3A_943 = arith.mulf %mul3A_942, %slice3A_940 : vector<1152x128xf32>
    %sub3A_944 = arith.subf %add3A_939, %mul3A_943 : vector<1152x128xf32>
    %add3A_945 = arith.constant 7808 : i32
    %add3A_946 = vector.broadcast %add3A_945 : i32 to vector<1152x128xi32>
    %add3A_947 = arith.addi %iota3A, %add3A_946 : vector<1152x128xi32>
    %lt3A_948 = arith.cmpf olt, %sub3A_944, %select_n3A_934 : vector<1152x128xf32>
    %select_n3A_949 = arith.select %lt3A_948, %sub3A_944, %select_n3A_934 : vector<1152x128xi1>, vector<1152x128xf32>
    %select_n3A_950 = arith.select %lt3A_948, %add3A_947, %select_n3A_935 : vector<1152x128xi1>, vector<1152x128xi32>
    %slice3A_951 = vector.extract_strided_slice %get3A_17 {offsets = [0, 7936], sizes = [1, 128], strides = [1, 1]} : vector<1x8192xf32> to vector<1x128xf32>
    %add3A_952 = vector.broadcast %broadcast_in_dim3A : vector<1152x1xf32> to vector<1152x128xf32>
    %add3A_953 = vector.broadcast %slice3A_951 : vector<1x128xf32> to vector<1152x128xf32>
    %add3A_954 = arith.addf %add3A_952, %add3A_953 : vector<1152x128xf32>
    %slice3A_955 = vector.extract_strided_slice %dot_general3A_740 {offsets = [0, 1792], sizes = [1152, 128], strides = [1, 1]} : vector<1152x2048xf32> to vector<1152x128xf32>
    %mul3A_956 = arith.constant 2.000000e+00 : f32
    %mul3A_957 = vector.broadcast %mul3A_956 : f32 to vector<1152x128xf32>
    %mul3A_958 = arith.mulf %mul3A_957, %slice3A_955 : vector<1152x128xf32>
    %sub3A_959 = arith.subf %add3A_954, %mul3A_958 : vector<1152x128xf32>
    %add3A_960 = arith.constant 7936 : i32
    %add3A_961 = vector.broadcast %add3A_960 : i32 to vector<1152x128xi32>
    %add3A_962 = arith.addi %iota3A, %add3A_961 : vector<1152x128xi32>
    %lt3A_963 = arith.cmpf olt, %sub3A_959, %select_n3A_949 : vector<1152x128xf32>
    %select_n3A_964 = arith.select %lt3A_963, %sub3A_959, %select_n3A_949 : vector<1152x128xi1>, vector<1152x128xf32>
    %select_n3A_965 = arith.select %lt3A_963, %add3A_962, %select_n3A_950 : vector<1152x128xi1>, vector<1152x128xi32>
    %slice3A_966 = vector.extract_strided_slice %get3A_17 {offsets = [0, 8064], sizes = [1, 128], strides = [1, 1]} : vector<1x8192xf32> to vector<1x128xf32>
    %add3A_967 = vector.broadcast %broadcast_in_dim3A : vector<1152x1xf32> to vector<1152x128xf32>
    %add3A_968 = vector.broadcast %slice3A_966 : vector<1x128xf32> to vector<1152x128xf32>
    %add3A_969 = arith.addf %add3A_967, %add3A_968 : vector<1152x128xf32>
    %slice3A_970 = vector.extract_strided_slice %dot_general3A_740 {offsets = [0, 1920], sizes = [1152, 128], strides = [1, 1]} : vector<1152x2048xf32> to vector<1152x128xf32>
    %mul3A_971 = arith.constant 2.000000e+00 : f32
    %mul3A_972 = vector.broadcast %mul3A_971 : f32 to vector<1152x128xf32>
    %mul3A_973 = arith.mulf %mul3A_972, %slice3A_970 : vector<1152x128xf32>
    %sub3A_974 = arith.subf %add3A_969, %mul3A_973 : vector<1152x128xf32>
    %add3A_975 = arith.constant 8064 : i32
    %add3A_976 = vector.broadcast %add3A_975 : i32 to vector<1152x128xi32>
    %add3A_977 = arith.addi %iota3A, %add3A_976 : vector<1152x128xi32>
    %lt3A_978 = arith.cmpf olt, %sub3A_974, %select_n3A_964 : vector<1152x128xf32>
    %select_n3A_979 = arith.select %lt3A_978, %sub3A_974, %select_n3A_964 : vector<1152x128xi1>, vector<1152x128xf32>
    %select_n3A_980 = arith.select %lt3A_978, %add3A_977, %select_n3A_965 : vector<1152x128xi1>, vector<1152x128xi32>
    %reduce_min3A = arith.constant dense<0x7F800000> : vector<1152xf32>
    %reduce_min3A_981 = vector.multi_reduction <minimumf>, %select_n3A_979, %reduce_min3A [1] : vector<1152x128xf32> to vector<1152xf32>
    %broadcast_in_dim3A_982 = vector.shape_cast %reduce_min3A_981 : vector<1152xf32> to vector<1152x1xf32>
    %eq3A_983 = vector.broadcast %broadcast_in_dim3A_982 : vector<1152x1xf32> to vector<1152x128xf32>
    %eq3A_984 = arith.cmpf oeq, %select_n3A_979, %eq3A_983 : vector<1152x128xf32>
    %jit3A_985 = arith.constant 8192 : i32
    %broadcast_in_dim3A_986 = vector.broadcast %jit3A_985 : i32 to vector<1152x128xi32>
    %select_n3A_987 = arith.select %eq3A_984, %select_n3A_980, %broadcast_in_dim3A_986 : vector<1152x128xi1>, vector<1152x128xi32>
    %reduce_min3A_988 = arith.constant dense<2147483647> : vector<1152xi32>
    %reduce_min3A_989 = vector.multi_reduction <minsi>, %select_n3A_987, %reduce_min3A_988 [1] : vector<1152x128xi32> to vector<1152xi32>
    %broadcast_in_dim3A_990 = vector.shape_cast %reduce_min3A_989 : vector<1152xi32> to vector<1152x1xi32>
    %squeeze3A = vector.shape_cast %broadcast_in_dim3A_990 : vector<1152x1xi32> to vector<1152xi32>
    %mul3A_991 = arith.constant 1152 : i32
    %mul3A_992 = arith.muli %arg0, %mul3A_991 : i32
    %swap3A_993 = arith.index_cast %mul3A_992 : i32 to index
    %swap3A_994 = vector.load %arg3[%swap3A_993] : memref<4608xi32, #tpu.memory_space<vmem>>, vector<1152xi32>
    tpu.vector_store %arg3[%swap3A_993], %squeeze3A {strides = array<i32>} : memref<4608xi32, #tpu.memory_space<vmem>>, vector<1152xi32>,
    %get3A_995 = arith.constant 0 : index
    %get3A_996 = arith.constant 0 : index
    %get3A_997 = memref.load %arg4[%get3A_995, %get3A_996] : memref<1x1xf32, #tpu.memory_space<smem>>
    %reduce_sum3A_998 = vector.shape_cast %broadcast_in_dim3A_982 : vector<1152x1xf32> to vector<1x1152x1xf32>
    %reduce_sum3A_999 = arith.constant dense<0.000000e+00> : vector<1xf32>
    %reduce_sum3A_1000 = vector.multi_reduction <add>, %reduce_sum3A_998, %reduce_sum3A_999 [1, 2] : vector<1x1152x1xf32> to vector<1xf32>
    %reduce_sum3A_1001 = vector.shape_cast %reduce_sum3A_1000 : vector<1xf32> to vector<1x1x1xf32>
    %reduce_sum3A_1002 = vector.extract %reduce_sum3A_1001[0, 0, 0] : f32 from vector<1x1x1xf32>
    %add3A_1003 = arith.addf %get3A_997, %reduce_sum3A_1002 : f32
    %swap3A_1004 = arith.constant 0 : index
    %swap3A_1005 = arith.constant 0 : index
    %swap3A_1006 = memref.load %arg4[%swap3A_1004, %swap3A_1005] : memref<1x1xf32, #tpu.memory_space<smem>>
    memref.store %add3A_1003, %arg4[%swap3A_1004, %swap3A_1005] : memref<1x1xf32, #tpu.memory_space<smem>>
    return
  }
  func.func @transform_0(%arg0: i32) -> (i32, i32, i32) {
    %c0_i32 = arith.constant 0 : i32
    %c0_i32_0 = arith.constant 0 : i32
    %c0_i32_1 = arith.constant 0 : i32
    return %arg0, %c0_i32, %c0_i32_0 : i32, i32, i32
  }
  func.func @transform_1(%arg0: i32) -> (i32, i32) {
    %c0_i32 = arith.constant 0 : i32
    %c0_i32_0 = arith.constant 0 : i32
    %c0_i32_1 = arith.constant 0 : i32
    return %c0_i32, %c0_i32_0 : i32, i32
  }
  func.func @transform_2(%arg0: i32) -> i32 {
    %c0_i32 = arith.constant 0 : i32
    %c0_i32_0 = arith.constant 0 : i32
    return %c0_i32 : i32
  }
  func.func @transform_3(%arg0: i32) -> (i32, i32) {
    %c0_i32 = arith.constant 0 : i32
    %c0_i32_0 = arith.constant 0 : i32
    %c0_i32_1 = arith.constant 0 : i32
    return %c0_i32, %c0_i32_0 : i32, i32
  }
  func.func @transform_4(%arg0: i32) -> (i32, i32) {
    %c0_i32 = arith.constant 0 : i32
    %c0_i32_0 = arith.constant 0 : i32
    return %arg0, %c0_i32 : i32, i32
  }
  func.func @transform_5(%arg0: i32) -> (i32, i32) {
    %c0_i32 = arith.constant 0 : i32
    %c0_i32_0 = arith.constant 0 : i32
    %c0_i32_1 = arith.constant 0 : i32
    return %c0_i32, %c0_i32_0 : i32, i32
  }
}

</mosaic_0001>

<sc_bundles>
// kernel: kernel.4.cloned.1.call-start
scs
__scs_entry_jumppad:
0x0: {  	(pc) =	sbr.rel $0x88, $3  }
0x1: {  	(tag) =	ssettag $0x0;
	lr =	simm.s32 $0x1  }
0x2: {  	[smem:$0x3F9F] =	sst lr;
	_ =	strace $0xD0000000  }
0x3: {  	_ = 	snop  }
0x4: {  	_ = 	snop  }
0x5: {  	_ = 	snop  }
0x6: {  	_ = 	snop  }
0x7: {  	_ = 	snop  }
__scs_overlays_trampoline_lowered:
0x8: {  	[smem:$0x3FAE] =	sst s0  }
0x9: {  	[smem:$0x3FAF] =	sst s1  }
0xa: {  	[smem:$0x3FB0] =	sst s2  }
0xb: {  	[smem:$0x3FB1] =	sst s3  }
0xc: {  	[smem:$0x3FB2] =	sst s4  }
0xd: {  	[smem:$0x3FB3] =	sst s5  }
0xe: {  	[smem:$0x3FB4] =	sst s6  }
0xf: {  	[smem:$0x3FB5] =	sst s7  }
0x10: {  	[smem:$0x3FB6] =	sst s8  }
0x11: {  	[smem:$0x3FB7] =	sst s9;
	s0 =	simm.s32 @!p0 $0x0  }
0x12: {  	s1 =	sld [smem:$0x3F9D];
	s0 =	simm.s32 @p0 $0x1  }
0x13: {  	[smem:$0x3FB8] =	sst s0;
	s0 =	simm.s32 @!p1 $0x0  }
0x14: {  	s2 =	sld [smem:$0x3F9C];
	s0 =	simm.s32 @p1 $0x1  }
0x15: {  	[smem:$0x3FB9] =	sst s0;
	s0 =	simm.s32 @!p2 $0x0  }
0x16: {  	s3 =	sld [smem:$0x3FDB];
	s0 =	simm.s32 @p2 $0x1  }
0x17: {  	s4 =	simm.s32 $0x1BF5;
	[smem:$0x3FBB] =	sst s0  }
0x18: {  	s0 =	sld [smem:$0x3F9E];
	_ =	swait.ge [sflag:s4], $0x0  }
0x19: {  	s7 =	sld [smem:$0x3F9F]  }
0x1a: {  	s8 =	sadd.s32 $0xFFFFE003, lr  }
0x1b: {  	s9 =	sadd.s32 $0xFFFFFEF7, lr;
	s5 =	simm.s32 $0xFFFFFFFF;
	p2 =	slt.u32 s8, $0xFFFFF086  }
0x1c: {  	p1 =	slt.u32 s9, $0xF7A;
	s5 =	simm.s32 @!p2 $0x0  }
0x1d: {  	s5 =	simm.s32 @p1 $0x1;
	p0 =	seq.s32 s7, s2  }
0x1e: {  	s7 =	smul.u32 @!p0 $0xF7A, s2;
	p2 =	seq.s32 @!p0 s5, $0x0  }
0x1f: {  	s9 =	smul.u32 $0xF7A, s1;
	s8 =	simm.s32 @!p0 $0x1BF5;
	p2 =	por !p2, p0  }
0x20: {  	[sflag:s8] =	ssyncset.s32 @!p0 $0xFFFFF086;
	s6 =	sadd.s32 @!p0 s3, s7;
	s7 =	simm.s32 @!p0 $0x108  }
0x21: {  	s3 =	sadd.s32 s3, s9;
	s6 =	sadd.s32 @!p0 $0x88, s6;
	s7 =	simm.s32 @p2 $0x1082  }
0x22: {  	[simem:s7], [sflag:s8] =	dma.local @!p0 [hbm:s6], $0xF7A  }
0x23: {  	s9 =	sor.u32 $0xD0000000, s2;
	s6 =	simm.s32 $0x108;
	_ =	swait.ge @!p0 [sflag:s8], $0x0  }
0x24: {  	s3 =	sadd.s32 $0x88, s3;
	s6 =	simm.s32 @!p1 $0x1082;
	[sflag:s4] =	ssyncset.s32 $0xFFFFF086  }
0x25: {  	[simem:s6], [sflag:s4] =	dma.local [hbm:s3], $0xF7A  }
0x26: {  	[smem:$0x3F9F] =	sst s1;
	(tag) =	ssettag s2;
	_ =	strace s9  }
0x27: {  	s1 =	sld [smem:$0x3FAF]  }
0x28: {  	s2 =	sld [smem:$0x3FB0]  }
0x29: {  	s4 =	sld [smem:$0x3FB2]  }
0x2a: {  	p0 =	seq.s32 s5, $0x0;
	s5 =	sld [smem:$0x3FB3]  }
0x2b: {  	s6 =	sld [smem:$0x3FB4]  }
0x2c: {  	s7 =	sld [smem:$0x3FB5]  }
0x2d: {  	s3 =	simm.s32 $0x108;
	s8 =	sld [smem:$0x3FB6]  }
0x2e: {  	s3 =	simm.s32 @!p0 $0x1082;
	s9 =	sld [smem:$0x3FB7]  }
0x2f: {  	lr =	sadd.s32 s0, s3;
	s0 =	sld [smem:$0x3FAE]  }
0x30: {  	s3 =	sld [smem:$0x3FB1]  }
0x31: {  	[smem:$0x3FBA] =	sst s10  }
0x32: {  	s10 =	sld [smem:$0x3FB8];
	_ =	sdelay $0x3  }
0x33: {  	p0 =	seq.s32 s10, $0x1;
	s10 =	sld [smem:$0x3FBA];
	_ =	sdelay $0x3  }
0x34: {  	[smem:$0x3FBA] =	sst s10  }
0x35: {  	s10 =	sld [smem:$0x3FB9];
	_ =	sdelay $0x3  }
0x36: {  	p1 =	seq.s32 s10, $0x1;
	s10 =	sld [smem:$0x3FBA];
	_ =	sdelay $0x3  }
0x37: {  	[smem:$0x3FBA] =	sst s10  }
0x38: {  	s10 =	sld [smem:$0x3FBB]  }
0x39: {  	_ = 	snop;
	(pc) =	sbr.ind lr, $3  }
0x3a: {  	_ = 	snop  }
0x3b: {  	_ = 	snop  }
0x3c: {  	p2 =	seq.s32 s10, $0x1;
	s10 =	sld [smem:$0x3FBA]  }
0x3d: {  	_ =	shalt  }
0x3e: {  	_ =	shalt  }
0x3f: {  	_ =	shalt  }
0x40: {  	_ =	shalt  }
0x41: {  	_ =	shalt  }
0x42: {  	_ =	shalt  }
0x43: {  	_ =	shalt  }
0x44: {  	_ =	shalt  }
0x45: {  	_ =	shalt  }
0x46: {  	_ =	shalt  }
0x47: {  	_ =	shalt  }
0x48: {  	_ =	shalt  }
0x49: {  	_ =	shalt  }
0x4a: {  	_ =	shalt  }
0x4b: {  	_ =	shalt  }
0x4c: {  	_ =	shalt  }
0x4d: {  	_ =	shalt  }
0x4e: {  	_ =	shalt  }
0x4f: {  	_ =	shalt  }
0x50: {  	_ =	shalt  }
0x51: {  	_ =	shalt  }
0x52: {  	_ =	shalt  }
0x53: {  	_ =	shalt  }
0x54: {  	_ =	shalt  }
0x55: {  	_ =	shalt  }
0x56: {  	_ =	shalt  }
0x57: {  	_ =	shalt  }
0x58: {  	_ =	shalt  }
0x59: {  	_ =	shalt  }
0x5a: {  	_ =	shalt  }
0x5b: {  	_ =	shalt  }
0x5c: {  	_ =	shalt  }
0x5d: {  	_ =	shalt  }
0x5e: {  	_ =	shalt  }
0x5f: {  	_ =	shalt  }
0x60: {  	_ =	shalt  }
0x61: {  	_ =	shalt  }
0x62: {  	_ =	shalt  }
0x63: {  	_ =	shalt  }
0x64: {  	_ =	shalt  }
0x65: {  	_ =	shalt  }
0x66: {  	_ =	shalt  }
0x67: {  	_ =	shalt  }
0x68: {  	_ =	shalt  }
0x69: {  	_ =	shalt  }
0x6a: {  	_ =	shalt  }
0x6b: {  	_ =	shalt  }
0x6c: {  	_ =	shalt  }
0x6d: {  	_ =	shalt  }
0x6e: {  	_ =	shalt  }
0x6f: {  	_ =	shalt  }
0x70: {  	_ =	shalt  }
0x71: {  	_ =	shalt  }
0x72: {  	_ =	shalt  }
0x73: {  	_ =	shalt  }
0x74: {  	_ =	shalt  }
0x75: {  	_ =	shalt  }
0x76: {  	_ =	shalt  }
0x77: {  	_ =	shalt  }
0x78: {  	_ =	shalt  }
0x79: {  	_ =	shalt  }
0x7a: {  	_ =	shalt  }
0x7b: {  	_ =	shalt  }
0x7c: {  	_ =	shalt  }
0x7d: {  	_ =	shalt  }
0x7e: {  	_ =	shalt  }
0x7f: {  	_ =	shalt  }
0x80: {  	_ =	shalt  }
0x81: {  	_ =	shalt  }
0x82: {  	_ =	shalt  }
0x83: {  	_ =	shalt  }
0x84: {  	_ =	shalt  }
0x85: {  	_ =	shalt  }
0x86: {  	_ =	shalt  }
0x87: {  	_ =	shalt  }
.Lfunc_end0:
.L_simem_size_0:
called_computation_lowered:
.L_overlay_start_0:
0x88: {  	s2 =	sld [smem:$0x3FD9]  }
0x89: {  	s3 =	sld [smem:$0x3FFE];
	_ =	sdelay $0x1  }
0x8a: {  	s1 =	srdreg.scid  }
0x8b: {  	s0 =	sand.u32 $0x1, s1  }
0x8c: {  	s14 =	sshll.u32 s0, $0xA;
	s2 =	sadd.s32 s3, s2  }
0x8d: {  	s2 =	sadd.s32 s2, s14  }
0x8e: {  	[smem:$0x3FC6] =	sst s2  }
0x8f: {  	_ = 	snop  }
0x90: {  	s2 =	sld [smem:$0x3FD0];
	_ =	sdelay $0x2  }
0x91: {  	s15 =	simm.s32 $0xA;
	s4 =	simm.s32 $0x10  }
0x92: {  	[smem:s4], [sflag:s15] =	dma.local [hbm:s2], $0x1  }
0x93: {  	_ =	swait.eq [sflag:s15], $0x1  }
0x94: {  	[sflag:s15] =	ssyncset.done $0x0  }
0x95: {  	[sflag:s15] =	ssyncadd.s32 $0xFFFFFFFF  }
0x96: {  	s16 =	sld [smem:$0x12];
	(tm) =	ssettm $0x1  }
0x97: {  	s17 =	sld [smem:$0x3FFB];
	_ =	sdelay $0x3  }
0x98: {  	_ =	strace s17  }
0x99: {  	s3 =	sld [smem:$0x3FFC];
	_ =	sdelay $0x3  }
0x9a: {  	_ =	strace s3  }
0x9b: {  	s3 =	sld [smem:$0x3FFD];
	_ =	sdelay $0x3  }
0x9c: {  	_ =	strace s3  }
0x9d: {  	_ =	strace $0x8FFFFFFF  }
0x9e: {  	s18 =	sld [smem:$0x3FDB];
	_ =	sdelay $0x1  }
0x9f: {  	s19 =	simm.s32 $_scs_section_size  }
0xa0: {  	s5 =	simm.s32 $_size__tile_overlayer_lowered;
	s6 =	simm.s32 $_tile_overlayer_lowered  }
0xa1: {  	s22 =	simm.s32 $0x1BFF;
	s21 =	sshll.u32 s6, $0x1;
	s3 =	sadd.s32 s19, s18  }
0xa2: {  	s7 =	simm.s32 $0x0;
	s20 =	sshll.u32 s5, $0x1;
	s5 =	sadd.s32 s21, s3  }
0xa3: {  	[timem:s7], [sflag:s22] =	dma.local [hbm:s5], s20  }
0xa4: {  	_ =	swait.ge [sflag:s22], s20  }
0xa5: {  	s4 =	ssub.s32 $0x0, s20;
	[sflag:s22] =	ssyncset.done $0x0  }
0xa6: {  	[sflag:s22] =	ssyncadd.s32 s4;
	_ =	sdelay $0x1  }
0xa7: {  	s23 =	simm.s32 $0x1B8B  }
0xa8: {  	_ =	swait.ge [sflag:s23], $0x1  }
0xa9: {  	[sflag:s23] =	ssyncset.done $0x0  }
0xaa: {  	s25 =	simm.s32 $0x1B8E;
	s24 =	sld [smem:$0x3FFE];
	[sflag:s23] =	ssyncadd.s32 $0xFFFFFFFF  }
0xab: {  	s26 =	simm.s32 $execute0_lowered;
	[smem:$0x3FD2] =	sst s25  }
0xac: {  	s5 =	sshll.u32 s26, $0x1;
	_ =	strace $0x80000046;
	[dreg:$0x1] =	wrdreg $0xFFFFFFFF  }
0xad: {  	s28 =	simm.s32 $_size_execute0_lowered;
	s3 =	sadd.s32 s3, s5;
	[dreg:$0x0] =	wrdreg $0x0  }
0xae: {  	s5 =	sshll.u32 s28, $0x1;
	[dreg:$0x2] =	wrdreg s3  }
0xaf: {  	[dreg:$0x3] =	wrdreg s5  }
0xb0: {  	[dreg:$0x4] =	wrdreg $0xC0  }
0xb1: {  	_ =	task [dreg:s7], $0x5FFFF  }
0xb2: {  	[dreg:$0x1] =	wrdreg $0xFFFFFFFF  }
0xb3: {  	[dreg:$0x0] =	wrdreg $0x60  }
0xb4: {  	[dreg:$0x2] =	wrdreg s24  }
0xb5: {  	[dreg:$0x3] =	wrdreg s16  }
0xb6: {  	[dreg:$0x4] =	wrdreg $0x9  }
0xb7: {  	_ =	task.clear_ibuf [dreg:s7], $0x5FFFF;
	_ =	strace $0x90000046  }
0xb8: {  	s29 =	simm.s32 $0x9;
	_ =	strace $0x80000048  }
0xb9: {  	_ =	swait.ge [sflag:s29], $0x1  }
0xba: {  	[sflag:s29] =	ssyncadd.s32 $0xFFFFFFFF  }
0xbb: {  	_ =	strace $0x90000048  }
0xbc: {  	_ =	sfence  }
0xbd: {  	s30 =	sld [smem:$0x0];
	_ =	sdelay $0x2  }
0xbe: {  	s31 =	sshll.u32 s1, $0xD;
	s1 =	sshrl.u32 s1, $0x2  }
0xbf: {  	s3 =	sand.u32 $0x4000, s31;
	s1 =	sadd.s32 s1, s30  }
0xc0: {  	s0 =	sor.u32 s3, s0;
	s1 =	sshll.u32 s1, $0x11  }
0xc1: {  	s0 =	sor.u32 s1, s0  }
0xc2: {  	s0 =	sadd.s32 $0x8F2B, s0  }
0xc3: {  	[sflag:s0] =	ssyncadd.remote.s32 $0x1  }
0xc4: {  	_ =	sfence.sel $0xFFFF  }
0xc5: {  	[dreg:$0x0] =	wrdreg $0xFFFFFFFF;
	(pc) =	sbr.abs _section_cstart, $3  }
0xc6: {  	[dreg:$0x1] =	wrdreg $0xFFFFFFFF  }
0xc7: {  	_ =	task.clear_ibuf [dreg:s7], $0x2FFFF;
	_ =	strace $0x9FFFFFFF  }
0xc8: {  	(tm) =	ssettm $0x7FFFFFFF  }
0xc9: {  	_ =	shalt  }
tec
execute0_lowered:
.L_overlay_start_1:
0x0: {  	(tag) =	ssettag $0x1  }
0x1: {  	s1 =	srdreg.scid;
	s4 =	rddreg [dreg:$0x0]  }
0x2: {  	s0 =	stileid.u32;
	s5 =	rddreg [dreg:$0x1]  }
0x3: {  	s2 =	simm.s32 $0x0;
	s10 =	simm.s32 $0x100;
	s11 =	simm.s32 $0x1  }
0x4: {  	s12 =	simm.s32 $0x4900;
	s3 =	sand.u32 $0x1, s1;
	s31 =	sshll.u32 s0, $0x1  }
0x5: {  	s13 =	simm.s32 $0x0;
	s1 =	rddreg [dreg:$0x2];
	s6 =	sor.u32 s3, s31  }
0x6: {  	[smem:$0x7FF] =	sst s2;
	s8 =	ssub.s32 $0x2, s3;
	s7 =	smul.u32 $0x900, s6  }
0x7: {  	_ =	strace $0x80000047;
	s6 =	smul.u32 $0x12, s6;
	s9 =	sshrl.u32 s8, $0x1  }
0x8: {  	s3 =	sadd.s32 $0xC00, s4;
	s8 =	ssub.s32 s8, s9;
	s7 =	sadd.s32 s7, s4  }
0x9: {  	s9 =	simm.s32 $0x90;
	s4 =	sadd.s32 s5, s6;
	s5 =	sadd.s32 $0x20C00, s7  }
0xa: {  	s6 =	sadd.s32 $0x32C00, s7;
	s7 =	smax.u32 s8, $0x1;
	s8 =	simm.s32 $0x2  }
.LBB2_1:
0xb: {  	[tilespmem:s2], [sflag:$0x2] =	stream.linear.gather [hbm4b:s4+s2], $0x90, $0x38;
	[tilespmem:$0x9100] =	vst v63  }
0xc: {  	_ =	swait.ge [sflag:s8], $0x90  }
0xd: {  	[sflag:s8] =	ssyncset.done $0x0  }
0xe: {  	[sflag:s8] =	ssyncadd.s32 $0xFFFFFF70  }
0xf: {  	[tilespmem:s10], [sflag:$0x1] =	stream.indirect.gather [hbm4b:s3+s9], $0x80, s2, s9, $0xb8;
	[tilespmem:$0x9100] =	vst v63  }
0x10: {  	_ =	swait.ge [sflag:s11], $0x4800  }
0x11: {  	[sflag:s11] =	ssyncset.done $0x0  }
0x12: {  	[sflag:s11] =	ssyncadd.s32 $0xFFFFB800  }
0x13: {  	[tilespmem:s12], [sflag:$0x2] =	stream.linear.gather [hbm4b:s5+s2], $0x4800, $0x38;
	[tilespmem:$0x9100] =	vst v63  }
0x14: {  	_ =	swait.ge [sflag:s8], $0x4800  }
0x15: {  	[sflag:s8] =	ssyncset.done $0x0  }
0x16: {  	s14 =	simm.s32 $0x0;
	[sflag:s8] =	ssyncadd.s32 $0xFFFFB800  }
0x17: {  	v0 =	vld [tilespmem:s14+$0x100]  }
0x18: {  	v2 =	vld [tilespmem:s14+$0x110]  }
0x19: {  	s15 =	simm.s32 $0x200;
	v1 =	vld [tilespmem:s14+$0x4900]  }
.LBB2_2:
0x1a: {  	p0 =	sne.s32 s15, $0x11E00;
	v3 =	vld [tilespmem:s14+$0x4910];
	_ =	sdelay $0x3  }
0x1b: {  	v0 =	vsub.f32 v0, v1  }
.Ltmp0:
0x1c: {  	v2 =	vsub.f32 v2, v3;
	(pc) =	sbr.rel @p0 .LBB2_2-.Ltmp0, $4  }
0x1d: {  	s16 =	sshra.s32 s15, $0x2;
	v1 =	vadd.f32 v0, v1  }
0x1e: {  	v0 =	vld [tilespmem:s16+$0x100];
	v3 =	vadd.f32 v2, v3  }
0x1f: {  	v2 =	vld [tilespmem:s16+$0x110];
	[tilespmem:s14+$0x4900] =	vst v1  }
0x20: {  	s15 =	sadd.s32 $0x200, s15;
	v1 =	vld [tilespmem:s16+$0x4900];
	[tilespmem:s14+$0x4910] =	vst v3;
	s14 =	smov.u32 s16  }
0x21: {  	v3 =	vld [tilespmem:s14+$0x4910];
	_ =	sdelay $0x3  }
0x22: {  	v0 =	vsub.f32 v0, v1  }
0x23: {  	v2 =	vsub.f32 v2, v3  }
0x24: {  	v0 =	vadd.f32 v0, v1  }
0x25: {  	s13 =	sadd.s32 $0x1, s13;
	v63 =	vadd.f32 v2, v3  }
0x26: {  	p0 =	sne.s32 s13, s7;
	[tilespmem:s14+$0x4900] =	vst v0  }
.Ltmp1:
0x27: {  	[tilespmem:s14+$0x4910] =	vst v63;
	(pc) =	sbr.rel @p0 .LBB2_1-.Ltmp1, $4  }
0x28: {  	[hbm4b:s6+s2] =	stream.linear.scatter [tilespmem:s12], [sflag:$0x2], $0x4800, $0x38;
	[tilespmem:$0x9100] =	vst v63  }
0x29: {  	_ =	swait.ge [sflag:s8], $0x4800  }
0x2a: {  	[sflag:s8] =	ssyncset.done $0x0  }
0x2b: {  	[sflag:s8] =	ssyncadd.s32 $0xFFFFB800  }
0x2c: {  	_ =	sfence.sel $0x180000  }
0x2d: {  	[bflag:$0x0] =	sbarrier.arrive $0xFFFF  }
0x2e: {  	p0 =	sne.s32 s0, $0x0;
	_ =	strace $0x90000047  }
0x2f: {  	s0 =	sadd.s32 @!p0 $0x100000, s1;
	[bflag:$0x2] =	sbarrier.arrive $0xFFFF  }
0x30: {  	[sflag:s0] =	ssyncadd.tile.s32 @!p0 $0x1;
	_ =	shalt  }
.Lfunc_end2:
_tile_overlayer_lowered:
.L_overlay_start_2:
0x31: {  	(tag) =	ssettag $0x2  }
0x32: {  	s0 =	rddreg [dreg:$0x0];
	s2 =	stileid.u32  }
0x33: {  	s1 =	rddreg [dreg:$0x1];
	p0 =	sne.s32 s2, $0x0  }
0x34: {  	s3 =	rddreg [dreg:$0x2];
	[bflag:$0x3] =	sbarrier.arrive $0xFFFF;
	s2 =	simm.s32 @!p0 $0x1C02  }
0x35: {  	[timem:s3], [sflag:s2] =	dma.local @!p0 [hbm:s0], s1  }
0x36: {  	s0 =	simm.s32 @!p0 $0x2  }
0x37: {  	_ =	swait.ge @!p0 [sflag:s0], s1  }
0x38: {  	s1 =	ssub.s32 @!p0 $0x0, s1;
	[sflag:s0] =	ssyncset.done @!p0 $0x0  }
0x39: {  	[sflag:s0] =	ssyncadd.s32 @!p0 s1  }
0x3a: {  	[bflag:$0x3] =	sbarrier.arrive $0xFFFF  }
0x3b: {  	_ =	shalt  }

</sc_bundles>
